<compile_context>
chip_gen: v7x
topology: tpu7x:2x2x1
jax: 0.10.2.dev20260603
libtpu: 0.0.44.dev20260713+nightly
codegen_flags: <defaults>
</compile_context>

<pallas_src>
import functools

import jax
import jax.numpy as jnp
from jax import lax
from jax.experimental import pallas as pl
from jax.experimental.pallas import tpu as pltpu
from jax.experimental.pallas import tpu_sc as plsc

_V, _D, _H, _O = 1000, 300, 100, 50
_B, _L = 4096, 50
_NW = 32
_BPW = _B // _NW
_NG = _BPW // 16
_VP = 1024
_IDXW = _L * _BPW
_GRP = 8 * _O * 16


def _mlp_body(emb_ref, w1_ref, b1_ref, w2_ref, b2_ref, out_ref):
    x = jnp.dot(emb_ref[...], w1_ref[...],
                preferred_element_type=jnp.float32,
                precision=lax.Precision.HIGHEST)
    x = jnp.maximum(x + b1_ref[...], 0.0)
    y = jnp.dot(x, w2_ref[...],
                preferred_element_type=jnp.float32,
                precision=lax.Precision.HIGHEST)
    out_ref[...] = y + b2_ref[...]


def _mlp_table(emb, W1, b1, W2, b2):
    return pl.pallas_call(
        _mlp_body,
        out_shape=jax.ShapeDtypeStruct((_V, _O), jnp.float32),
    )(emb, W1, b1.reshape(1, _H), W2, b2.reshape(1, _O))


def _sc_body(t2_hbm, idx_hbm, mom_hbm, pres_hbm,
             t2_v, ia_v, ip_v, in_v, stage_v, pres_v):
    c = lax.axis_index("c")
    s = lax.axis_index("s")
    wid = s * 2 + c

    pltpu.sync_copy(t2_hbm, t2_v)
    pltpu.sync_copy(idx_hbm.at[pl.ds((0 * _NW + wid) * _IDXW, _IDXW)], ia_v)
    pltpu.sync_copy(idx_hbm.at[pl.ds((1 * _NW + wid) * _IDXW, _IDXW)], ip_v)
    pltpu.sync_copy(idx_hbm.at[pl.ds((2 * _NW + wid) * _IDXW, _IDXW)], in_v)

    zero16 = jnp.zeros((16,), jnp.float32)
    one16 = jnp.ones((16,), jnp.float32)

    def zero_body(i, _):
        pres_v[pl.ds(i * 16, 16)] = zero16
        return 0
    lax.fori_loop(0, 3 * _VP // 16, zero_body, 0, unroll=4)

    def pres_body(i, _):
        iav = ia_v[pl.ds(i * 16, 16)]
        ipv = ip_v[pl.ds(i * 16, 16)]
        inv = in_v[pl.ds(i * 16, 16)]
        plsc.store_scatter(pres_v, [iav], one16)
        plsc.store_scatter(pres_v, [ipv + _VP], one16)
        plsc.store_scatter(pres_v, [inv + 2 * _VP], one16)
        ia_v[pl.ds(i * 16, 16)] = iav * _O
        ip_v[pl.ds(i * 16, 16)] = ipv * _O
        in_v[pl.ds(i * 16, 16)] = inv * _O
        return 0
    lax.fori_loop(0, _IDXW // 16, pres_body, 0, unroll=2)

    def g_body(g, _):
        gbase = g * 16

        def o_body(ot, _):
            ob = ot * 2

            def l_body(l, acc):
                ba = ia_v[pl.ds(l * _BPW + gbase, 16)]
                bp = ip_v[pl.ds(l * _BPW + gbase, 16)]
                bn = in_v[pl.ds(l * _BPW + gbase, 16)]
                out = []
                for t in range(2):
                    (sa, sp, sn, saa, spp, snn, sap, san) = acc[8*t:8*t+8]
                    ta = plsc.load_gather(t2_v, [ba + (ob + t)])
                    tp = plsc.load_gather(t2_v, [bp + (ob + t)])
                    tn = plsc.load_gather(t2_v, [bn + (ob + t)])
                    out.extend(
                        (sa + ta, sp + tp, sn + tn,
                         saa + ta * ta, spp + tp * tp, snn + tn * tn,
                         sap + ta * tp, san + ta * tn))
                return tuple(out)

            accs = lax.fori_loop(0, _L, l_body, (zero16,) * 16, unroll=4)
            for t in range(2):
                for m in range(8):
                    stage_v[pl.ds(m * _O * 16 + (ob + t) * 16, 16)] = \
                        accs[8*t + m]
            return 0
        lax.fori_loop(0, _O // 2, o_body, 0)

        pltpu.sync_copy(
            stage_v, mom_hbm.at[pl.ds((wid * _NG + g) * _GRP, _GRP)])
        return 0
    lax.fori_loop(0, _NG, g_body, 0)

    pltpu.sync_copy(pres_v, pres_hbm.at[pl.ds(wid * 3 * _VP, 3 * _VP)])


def _sc_gather(t2_flat, idx_flat):
    mesh = plsc.VectorSubcoreMesh(core_axis_name="c", subcore_axis_name="s")
    fn = functools.partial(
        pl.kernel,
        out_type=[
            jax.ShapeDtypeStruct((_NW * _NG * _GRP,), jnp.float32),
            jax.ShapeDtypeStruct((_NW * 3 * _VP,), jnp.float32),
        ],
        mesh=mesh,
        compiler_params=pltpu.CompilerParams(needs_layout_passes=False),
        scratch_types=[
            pltpu.VMEM((_V * _O,), jnp.float32),
            pltpu.VMEM((_IDXW,), jnp.int32),
            pltpu.VMEM((_IDXW,), jnp.int32),
            pltpu.VMEM((_IDXW,), jnp.int32),
            pltpu.VMEM((_GRP,), jnp.float32),
            pltpu.VMEM((3 * _VP,), jnp.float32),
        ],
    )(_sc_body)
    return fn(t2_flat, idx_flat)


def _fin_body(mom_ref, pres_ref, t2_ref, out_ref):
    i = pl.program_id(0)

    @pl.when(i == 0)
    def _():
        out_ref[...] = jnp.zeros((1, 1), jnp.float32)

    presm = jnp.max(pres_ref[...], axis=0)
    t2 = t2_ref[...]
    rmin = jnp.min(t2, axis=1)
    rmax = jnp.max(t2, axis=1)
    big = jnp.float32(jnp.inf)
    mns, sps = [], []
    for br in range(3):
        mask = presm[br, :_V] > 0.5
        mn = jnp.min(jnp.where(mask, rmin, big))
        mx = jnp.max(jnp.where(mask, rmax, -big))
        mns.append(mn)
        sps.append(mx - mn)

    m = mom_ref[...]
    sa, sp, sn, saa, spp, snn, sap, san = [m[:, k, :] for k in range(8)]
    mna, mnp_, mnn = mns
    Sa, Sp, Sn = sps
    Lf = jnp.float32(_L)
    sap_h = (sap - mnp_ * sa - mna * sp + Lf * mna * mnp_) / (Sa * Sp)
    san_h = (san - mnn * sa - mna * sn + Lf * mna * mnn) / (Sa * Sn)
    saa_h = (saa - 2.0 * mna * sa + Lf * mna * mna) / (Sa * Sa)
    spp_h = (spp - 2.0 * mnp_ * sp + Lf * mnp_ * mnp_) / (Sp * Sp)
    snn_h = (snn - 2.0 * mnn * sn + Lf * mnn * mnn) / (Sn * Sn)
    eps = jnp.float32(1e-8)
    na = jnp.maximum(jnp.sqrt(saa_h), eps)
    npv = jnp.maximum(jnp.sqrt(spp_h), eps)
    nnv = jnp.maximum(jnp.sqrt(snn_h), eps)
    dp = sap_h / (na * npv)
    dn = san_h / (na * nnv)
    loss = jnp.maximum(dp - dn + 0.5, 0.0)
    out_ref[...] += jnp.sum(loss).reshape(1, 1)


def _finalize(mom3, pres, t2):
    n_chunks = 8
    chunk = mom3.shape[0] // n_chunks
    return pl.pallas_call(
        _fin_body,
        grid=(n_chunks,),
        in_specs=[
            pl.BlockSpec((chunk, 8, _O * 16), lambda i: (i, 0, 0)),
            pl.BlockSpec(pres.shape, lambda i: (0, 0, 0)),
            pl.BlockSpec(t2.shape, lambda i: (0, 0)),
        ],
        out_specs=pl.BlockSpec((1, 1), lambda i: (0, 0)),
        out_shape=jax.ShapeDtypeStruct((1, 1), jnp.float32),
    )(mom3, pres, t2)


def kernel(anchor, positive, negative, emb, W1, b1, W2, b2):
    a = anchor.astype(jnp.int32)
    p = positive.astype(jnp.int32)
    n = negative.astype(jnp.int32)

    t2 = _mlp_table(emb, W1, b1, W2, b2)

    idx = jnp.stack([a, p, n])
    idx = idx.transpose(0, 2, 1)
    idx = idx.reshape(3, _L, _NW, _BPW)
    idx = idx.transpose(0, 2, 1, 3)

    mom, pres = _sc_gather(t2.reshape(-1), idx.reshape(-1))
    mom3 = mom.reshape(_NW * _NG, 8, _O * 16)
    out = _finalize(mom3, pres.reshape(_NW, 3, _VP), t2)
    return out[0, 0]

# --- scband reference (transcript-rebuilt; emitter-appended) ---
"""Pipeline reference for scband-triplet-embeddings-13657996001336 (READ-ONLY COPY).

The authoritative reference and input builder live on the scoring server;
editing this copy changes nothing except your own understanding.
"""

import jax, jax.numpy as jnp
import numpy as np

V, D, H, O = 1000, 300, 100, 50
B, L = 4096, 50


def setup_inputs(seed: int = 0):
    key = jax.random.key(seed)
    ks = jax.random.split(key, 6)
    anchor = jax.random.randint(ks[0], (B, L), 0, V)
    positive = jax.random.randint(ks[1], (B, L), 0, V)
    negative = jax.random.randint(ks[2], (B, L), 0, V)
    # embedding table initialized uniform [0,1) like init_embeddings (no known glove words)
    emb = jax.random.uniform(ks[3], (V, D), dtype=jnp.float32)
    W1 = jax.random.normal(ks[4], (D, H), dtype=jnp.float32) * 0.05
    b1 = jnp.zeros((H,), jnp.float32)
    W2 = jax.random.normal(ks[5], (H, O), dtype=jnp.float32) * 0.05
    b2 = jnp.zeros((O,), jnp.float32)
    return {"anchor": anchor, "positive": positive, "negative": negative,
            "emb": emb, "W1": W1, "b1": b1, "W2": W2, "b2": b2}


def _pass(idx, emb, W1, b1, W2, b2):
    x = jnp.take(emb, idx, axis=0)          # embedding gather [B, L, D]
    x = jax.nn.relu(x @ W1 + b1)            # dense1 + relu (dropout = identity in eval)
    x = x @ W2 + b2                          # dense2
    x = (x - x.min()) / (x.max() - x.min())  # global min-max normalization
    return x


def _cos_sim(a, b, axis=1, eps=1e-8):
    na = jnp.maximum(jnp.sqrt(jnp.sum(a * a, axis=axis)), eps)
    nb = jnp.maximum(jnp.sqrt(jnp.sum(b * b, axis=axis)), eps)
    return jnp.sum(a * b, axis=axis) / (na * nb)


def reference(anchor, positive, negative, emb, W1, b1, W2, b2):
    a = _pass(anchor, emb, W1, b1, W2, b2)
    p = _pass(positive, emb, W1, b1, W2, b2)
    n = _pass(negative, emb, W1, b1, W2, b2)
    dist_pos = _cos_sim(a, p, axis=1)
    dist_neg = _cos_sim(a, n, axis=1)
    losses = jax.nn.relu(dist_pos - dist_neg + 0.5)
    return jnp.sum(losses)

if __name__ == "__main__":
    import jax
    _d = setup_inputs()
    print(jax.jit(kernel)(*tuple(_d.values())))

</pallas_src>

<mosaic_0001>
#map = affine_map<(d0, d1) -> (0)>
module attributes {stable_mosaic.version = 14 : i64} {
  func.func @_sc_body(%arg0: i32, %arg1: i32, %arg2: memref<50000xf32, #tpu.memory_space<hbm>>, %arg3: memref<614400xi32, #tpu.memory_space<hbm>>, %arg4: memref<1638400xf32, #tpu.memory_space<hbm>>, %arg5: memref<98304xf32, #tpu.memory_space<hbm>>, %arg6: memref<50000xf32, #tpu.memory_space<vmem>>, %arg7: memref<6400xi32, #tpu.memory_space<vmem>>, %arg8: memref<6400xi32, #tpu.memory_space<vmem>>, %arg9: memref<6400xi32, #tpu.memory_space<vmem>>, %arg10: memref<6400xf32, #tpu.memory_space<vmem>>, %arg11: memref<3072xf32, #tpu.memory_space<vmem>>) attributes {dimension_semantics = [#tpu.dimension_semantics<core_parallel>, #tpu.dimension_semantics<subcore_parallel>], iteration_bounds = array<i64: 2, 16>, scalar_prefetch = 0 : i64, scratch_operands = 6 : i64, tpu.core_type = #tpu.core_type<sc_vector_subcore>, window_params = [{transform_indices = #map}, {transform_indices = #map}, {transform_indices = #map}, {transform_indices = #map}]} {
    %mul3A = arith.constant 2 : i32
    %mul3A_0 = arith.muli %arg1, %mul3A : i32
    %add3A = arith.addi %mul3A_0, %arg0 : i32
    "tpu.region"() ({
      %run_scoped3A = tpu.sem_alloc : memref<!tpu.dma_semaphore, #tpu.memory_space<semaphore_mem>>
      tpu.enqueue_dma source(%arg2 : memref<50000xf32, #tpu.memory_space<hbm>>) target(%arg6 : memref<50000xf32, #tpu.memory_space<vmem>>) target_semaphore(%run_scoped3A : memref<!tpu.dma_semaphore, #tpu.memory_space<semaphore_mem>>)
      tpu.wait_dma2 semaphore(%run_scoped3A : memref<!tpu.dma_semaphore, #tpu.memory_space<semaphore_mem>>) src(%arg2 : memref<50000xf32, #tpu.memory_space<hbm>>) dst(%arg6 : memref<50000xf32, #tpu.memory_space<vmem>>)
      tpu.yield
    }) : () -> ()
    %add3A_1 = arith.constant 0 : i32
    %add3A_2 = arith.addi %add3A_1, %add3A : i32
    %mul3A_3 = arith.constant 6400 : i32
    %mul3A_4 = arith.muli %add3A_2, %mul3A_3 : i32
    "tpu.region"() ({
      %run_scoped3A = tpu.sem_alloc : memref<!tpu.dma_semaphore, #tpu.memory_space<semaphore_mem>>
      %dma_start3A = tpu.memref_slice %arg3[%mul3A_4] : memref<614400xi32, #tpu.memory_space<hbm>> -> memref<6400xi32, #tpu.memory_space<hbm>>
      %dma_start3A_40 = tpu.memref_slice %arg3[%mul3A_4] : memref<614400xi32, #tpu.memory_space<hbm>> -> memref<6400xi32, #tpu.memory_space<hbm>>
      tpu.enqueue_dma source(%dma_start3A_40 : memref<6400xi32, #tpu.memory_space<hbm>>) target(%arg7 : memref<6400xi32, #tpu.memory_space<vmem>>) target_semaphore(%run_scoped3A : memref<!tpu.dma_semaphore, #tpu.memory_space<semaphore_mem>>)
      %dma_wait3A = tpu.memref_slice %arg3[%mul3A_4] : memref<614400xi32, #tpu.memory_space<hbm>> -> memref<6400xi32, #tpu.memory_space<hbm>>
      %dma_wait3A_41 = tpu.memref_slice %arg3[%mul3A_4] : memref<614400xi32, #tpu.memory_space<hbm>> -> memref<6400xi32, #tpu.memory_space<hbm>>
      tpu.wait_dma2 semaphore(%run_scoped3A : memref<!tpu.dma_semaphore, #tpu.memory_space<semaphore_mem>>) src(%dma_wait3A_41 : memref<6400xi32, #tpu.memory_space<hbm>>) dst(%arg7 : memref<6400xi32, #tpu.memory_space<vmem>>)
      tpu.yield
    }) : () -> ()
    %add3A_5 = arith.constant 32 : i32
    %add3A_6 = arith.addi %add3A_5, %add3A : i32
    %mul3A_7 = arith.constant 6400 : i32
    %mul3A_8 = arith.muli %add3A_6, %mul3A_7 : i32
    "tpu.region"() ({
      %run_scoped3A = tpu.sem_alloc : memref<!tpu.dma_semaphore, #tpu.memory_space<semaphore_mem>>
      %dma_start3A = tpu.memref_slice %arg3[%mul3A_8] : memref<614400xi32, #tpu.memory_space<hbm>> -> memref<6400xi32, #tpu.memory_space<hbm>>
      %dma_start3A_40 = tpu.memref_slice %arg3[%mul3A_8] : memref<614400xi32, #tpu.memory_space<hbm>> -> memref<6400xi32, #tpu.memory_space<hbm>>
      tpu.enqueue_dma source(%dma_start3A_40 : memref<6400xi32, #tpu.memory_space<hbm>>) target(%arg8 : memref<6400xi32, #tpu.memory_space<vmem>>) target_semaphore(%run_scoped3A : memref<!tpu.dma_semaphore, #tpu.memory_space<semaphore_mem>>)
      %dma_wait3A = tpu.memref_slice %arg3[%mul3A_8] : memref<614400xi32, #tpu.memory_space<hbm>> -> memref<6400xi32, #tpu.memory_space<hbm>>
      %dma_wait3A_41 = tpu.memref_slice %arg3[%mul3A_8] : memref<614400xi32, #tpu.memory_space<hbm>> -> memref<6400xi32, #tpu.memory_space<hbm>>
      tpu.wait_dma2 semaphore(%run_scoped3A : memref<!tpu.dma_semaphore, #tpu.memory_space<semaphore_mem>>) src(%dma_wait3A_41 : memref<6400xi32, #tpu.memory_space<hbm>>) dst(%arg8 : memref<6400xi32, #tpu.memory_space<vmem>>)
      tpu.yield
    }) : () -> ()
    %add3A_9 = arith.constant 64 : i32
    %add3A_10 = arith.addi %add3A_9, %add3A : i32
    %mul3A_11 = arith.constant 6400 : i32
    %mul3A_12 = arith.muli %add3A_10, %mul3A_11 : i32
    "tpu.region"() ({
      %run_scoped3A = tpu.sem_alloc : memref<!tpu.dma_semaphore, #tpu.memory_space<semaphore_mem>>
      %dma_start3A = tpu.memref_slice %arg3[%mul3A_12] : memref<614400xi32, #tpu.memory_space<hbm>> -> memref<6400xi32, #tpu.memory_space<hbm>>
      %dma_start3A_40 = tpu.memref_slice %arg3[%mul3A_12] : memref<614400xi32, #tpu.memory_space<hbm>> -> memref<6400xi32, #tpu.memory_space<hbm>>
      tpu.enqueue_dma source(%dma_start3A_40 : memref<6400xi32, #tpu.memory_space<hbm>>) target(%arg9 : memref<6400xi32, #tpu.memory_space<vmem>>) target_semaphore(%run_scoped3A : memref<!tpu.dma_semaphore, #tpu.memory_space<semaphore_mem>>)
      %dma_wait3A = tpu.memref_slice %arg3[%mul3A_12] : memref<614400xi32, #tpu.memory_space<hbm>> -> memref<6400xi32, #tpu.memory_space<hbm>>
      %dma_wait3A_41 = tpu.memref_slice %arg3[%mul3A_12] : memref<614400xi32, #tpu.memory_space<hbm>> -> memref<6400xi32, #tpu.memory_space<hbm>>
      tpu.wait_dma2 semaphore(%run_scoped3A : memref<!tpu.dma_semaphore, #tpu.memory_space<semaphore_mem>>) src(%dma_wait3A_41 : memref<6400xi32, #tpu.memory_space<hbm>>) dst(%arg9 : memref<6400xi32, #tpu.memory_space<vmem>>)
      tpu.yield
    }) : () -> ()
    %broadcast_in_dim3A = arith.constant 0.000000e+00 : f32
    %broadcast_in_dim3A_13 = vector.broadcast %broadcast_in_dim3A : f32 to vector<16xf32>
    %broadcast_in_dim3A_14 = arith.constant 1.000000e+00 : f32
    %broadcast_in_dim3A_15 = vector.broadcast %broadcast_in_dim3A_14 : f32 to vector<16xf32>
    %scan3A = arith.constant 0 : i32
    %scan3A_16 = arith.constant 0 : i32
    %scan3A_17 = arith.constant 192 : i32
    %scan3A_18 = arith.addi %scan3A_16, %scan3A_17 : i32
    %scan3A_19 = arith.constant 4 : i32
    %scan3A_20 = scf.for %scan3A_40 = %scan3A_16 to %scan3A_18 step %scan3A_19 iter_args(%scan3A_41 = %scan3A) -> (i32)  : i32 {
      %mul3A_42 = arith.constant 16 : i32
      %mul3A_43 = arith.muli %scan3A_40, %mul3A_42 : i32
      %swap3A = arith.index_cast %mul3A_43 : i32 to index
      %swap3A_44 = tpu.vector_load %arg11[%swap3A] {strides = array<i32>} : memref<3072xf32, #tpu.memory_space<vmem>>, vector<16xf32>,
      tpu.vector_store %arg11[%swap3A], %broadcast_in_dim3A_13 {strides = array<i32>} : memref<3072xf32, #tpu.memory_space<vmem>>, vector<16xf32>,
      %scan3A_45 = arith.constant 0 : i32
      %scan3A_46 = arith.constant 1 : i32
      %scan3A_47 = arith.addi %scan3A_40, %scan3A_46 : i32
      %mul3A_48 = arith.constant 16 : i32
      %mul3A_49 = arith.muli %scan3A_47, %mul3A_48 : i32
      %swap3A_50 = arith.index_cast %mul3A_49 : i32 to index
      %swap3A_51 = tpu.vector_load %arg11[%swap3A_50] {strides = array<i32>} : memref<3072xf32, #tpu.memory_space<vmem>>, vector<16xf32>,
      tpu.vector_store %arg11[%swap3A_50], %broadcast_in_dim3A_13 {strides = array<i32>} : memref<3072xf32, #tpu.memory_space<vmem>>, vector<16xf32>,
      %scan3A_52 = arith.constant 0 : i32
      %scan3A_53 = arith.constant 2 : i32
      %scan3A_54 = arith.addi %scan3A_40, %scan3A_53 : i32
      %mul3A_55 = arith.constant 16 : i32
      %mul3A_56 = arith.muli %scan3A_54, %mul3A_55 : i32
      %swap3A_57 = arith.index_cast %mul3A_56 : i32 to index
      %swap3A_58 = tpu.vector_load %arg11[%swap3A_57] {strides = array<i32>} : memref<3072xf32, #tpu.memory_space<vmem>>, vector<16xf32>,
      tpu.vector_store %arg11[%swap3A_57], %broadcast_in_dim3A_13 {strides = array<i32>} : memref<3072xf32, #tpu.memory_space<vmem>>, vector<16xf32>,
      %scan3A_59 = arith.constant 0 : i32
      %scan3A_60 = arith.constant 3 : i32
      %scan3A_61 = arith.addi %scan3A_40, %scan3A_60 : i32
      %mul3A_62 = arith.constant 16 : i32
      %mul3A_63 = arith.muli %scan3A_61, %mul3A_62 : i32
      %swap3A_64 = arith.index_cast %mul3A_63 : i32 to index
      %swap3A_65 = tpu.vector_load %arg11[%swap3A_64] {strides = array<i32>} : memref<3072xf32, #tpu.memory_space<vmem>>, vector<16xf32>,
      tpu.vector_store %arg11[%swap3A_64], %broadcast_in_dim3A_13 {strides = array<i32>} : memref<3072xf32, #tpu.memory_space<vmem>>, vector<16xf32>,
      %scan3A_66 = arith.constant 0 : i32
      scf.yield %scan3A_66 : i32
    }
    %scan3A_21 = arith.constant 192 : i32
    %scan3A_22 = arith.constant 0 : i32
    %scan3A_23 = arith.constant 0 : i32
    %scan3A_24 = arith.constant 400 : i32
    %scan3A_25 = arith.addi %scan3A_23, %scan3A_24 : i32
    %scan3A_26 = arith.constant 2 : i32
    %scan3A_27 = scf.for %scan3A_40 = %scan3A_23 to %scan3A_25 step %scan3A_26 iter_args(%scan3A_41 = %scan3A_22) -> (i32)  : i32 {
      %mul3A_42 = arith.constant 16 : i32
      %mul3A_43 = arith.muli %scan3A_40, %mul3A_42 : i32
      %get3A = arith.index_cast %mul3A_43 : i32 to index
      %get3A_44 = tpu.vector_load %arg7[%get3A] {strides = array<i32>} : memref<6400xi32, #tpu.memory_space<vmem>>, vector<16xi32>,
      %mul3A_45 = arith.constant 16 : i32
      %mul3A_46 = arith.muli %scan3A_40, %mul3A_45 : i32
      %get3A_47 = arith.index_cast %mul3A_46 : i32 to index
      %get3A_48 = tpu.vector_load %arg8[%get3A_47] {strides = array<i32>} : memref<6400xi32, #tpu.memory_space<vmem>>, vector<16xi32>,
      %mul3A_49 = arith.constant 16 : i32
      %mul3A_50 = arith.muli %scan3A_40, %mul3A_49 : i32
      %get3A_51 = arith.index_cast %mul3A_50 : i32 to index
      %get3A_52 = tpu.vector_load %arg9[%get3A_51] {strides = array<i32>} : memref<6400xi32, #tpu.memory_space<vmem>>, vector<16xi32>,
      tpu.vector_store_idx %arg11[%get3A_44], %broadcast_in_dim3A_15 : memref<3072xf32, #tpu.memory_space<vmem>>[vector<16xi32>], vector<16xf32>,
      %add3A_53 = arith.constant 1024 : i32
      %add3A_54 = vector.broadcast %add3A_53 : i32 to vector<16xi32>
      %add3A_55 = arith.addi %get3A_48, %add3A_54 : vector<16xi32>
      tpu.vector_store_idx %arg11[%add3A_55], %broadcast_in_dim3A_15 : memref<3072xf32, #tpu.memory_space<vmem>>[vector<16xi32>], vector<16xf32>,
      %add3A_56 = arith.constant 2048 : i32
      %add3A_57 = vector.broadcast %add3A_56 : i32 to vector<16xi32>
      %add3A_58 = arith.addi %get3A_52, %add3A_57 : vector<16xi32>
      tpu.vector_store_idx %arg11[%add3A_58], %broadcast_in_dim3A_15 : memref<3072xf32, #tpu.memory_space<vmem>>[vector<16xi32>], vector<16xf32>,
      %mul3A_59 = arith.constant 50 : i32
      %mul3A_60 = vector.broadcast %mul3A_59 : i32 to vector<16xi32>
      %mul3A_61 = arith.muli %get3A_44, %mul3A_60 : vector<16xi32>
      %mul3A_62 = arith.constant 16 : i32
      %mul3A_63 = arith.muli %scan3A_40, %mul3A_62 : i32
      %swap3A = arith.index_cast %mul3A_63 : i32 to index
      %swap3A_64 = tpu.vector_load %arg7[%swap3A] {strides = array<i32>} : memref<6400xi32, #tpu.memory_space<vmem>>, vector<16xi32>,
      tpu.vector_store %arg7[%swap3A], %mul3A_61 {strides = array<i32>} : memref<6400xi32, #tpu.memory_space<vmem>>, vector<16xi32>,
      %mul3A_65 = arith.constant 50 : i32
      %mul3A_66 = vector.broadcast %mul3A_65 : i32 to vector<16xi32>
      %mul3A_67 = arith.muli %get3A_48, %mul3A_66 : vector<16xi32>
      %mul3A_68 = arith.constant 16 : i32
      %mul3A_69 = arith.muli %scan3A_40, %mul3A_68 : i32
      %swap3A_70 = arith.index_cast %mul3A_69 : i32 to index
      %swap3A_71 = tpu.vector_load %arg8[%swap3A_70] {strides = array<i32>} : memref<6400xi32, #tpu.memory_space<vmem>>, vector<16xi32>,
      tpu.vector_store %arg8[%swap3A_70], %mul3A_67 {strides = array<i32>} : memref<6400xi32, #tpu.memory_space<vmem>>, vector<16xi32>,
      %mul3A_72 = arith.constant 50 : i32
      %mul3A_73 = vector.broadcast %mul3A_72 : i32 to vector<16xi32>
      %mul3A_74 = arith.muli %get3A_52, %mul3A_73 : vector<16xi32>
      %mul3A_75 = arith.constant 16 : i32
      %mul3A_76 = arith.muli %scan3A_40, %mul3A_75 : i32
      %swap3A_77 = arith.index_cast %mul3A_76 : i32 to index
      %swap3A_78 = tpu.vector_load %arg9[%swap3A_77] {strides = array<i32>} : memref<6400xi32, #tpu.memory_space<vmem>>, vector<16xi32>,
      tpu.vector_store %arg9[%swap3A_77], %mul3A_74 {strides = array<i32>} : memref<6400xi32, #tpu.memory_space<vmem>>, vector<16xi32>,
      %scan3A_79 = arith.constant 0 : i32
      %scan3A_80 = arith.constant 1 : i32
      %scan3A_81 = arith.addi %scan3A_40, %scan3A_80 : i32
      %mul3A_82 = arith.constant 16 : i32
      %mul3A_83 = arith.muli %scan3A_81, %mul3A_82 : i32
      %get3A_84 = arith.index_cast %mul3A_83 : i32 to index
      %get3A_85 = tpu.vector_load %arg7[%get3A_84] {strides = array<i32>} : memref<6400xi32, #tpu.memory_space<vmem>>, vector<16xi32>,
      %mul3A_86 = arith.constant 16 : i32
      %mul3A_87 = arith.muli %scan3A_81, %mul3A_86 : i32
      %get3A_88 = arith.index_cast %mul3A_87 : i32 to index
      %get3A_89 = tpu.vector_load %arg8[%get3A_88] {strides = array<i32>} : memref<6400xi32, #tpu.memory_space<vmem>>, vector<16xi32>,
      %mul3A_90 = arith.constant 16 : i32
      %mul3A_91 = arith.muli %scan3A_81, %mul3A_90 : i32
      %get3A_92 = arith.index_cast %mul3A_91 : i32 to index
      %get3A_93 = tpu.vector_load %arg9[%get3A_92] {strides = array<i32>} : memref<6400xi32, #tpu.memory_space<vmem>>, vector<16xi32>,
      tpu.vector_store_idx %arg11[%get3A_85], %broadcast_in_dim3A_15 : memref<3072xf32, #tpu.memory_space<vmem>>[vector<16xi32>], vector<16xf32>,
      %add3A_94 = arith.constant 1024 : i32
      %add3A_95 = vector.broadcast %add3A_94 : i32 to vector<16xi32>
      %add3A_96 = arith.addi %get3A_89, %add3A_95 : vector<16xi32>
      tpu.vector_store_idx %arg11[%add3A_96], %broadcast_in_dim3A_15 : memref<3072xf32, #tpu.memory_space<vmem>>[vector<16xi32>], vector<16xf32>,
      %add3A_97 = arith.constant 2048 : i32
      %add3A_98 = vector.broadcast %add3A_97 : i32 to vector<16xi32>
      %add3A_99 = arith.addi %get3A_93, %add3A_98 : vector<16xi32>
      tpu.vector_store_idx %arg11[%add3A_99], %broadcast_in_dim3A_15 : memref<3072xf32, #tpu.memory_space<vmem>>[vector<16xi32>], vector<16xf32>,
      %mul3A_100 = arith.constant 50 : i32
      %mul3A_101 = vector.broadcast %mul3A_100 : i32 to vector<16xi32>
      %mul3A_102 = arith.muli %get3A_85, %mul3A_101 : vector<16xi32>
      %mul3A_103 = arith.constant 16 : i32
      %mul3A_104 = arith.muli %scan3A_81, %mul3A_103 : i32
      %swap3A_105 = arith.index_cast %mul3A_104 : i32 to index
      %swap3A_106 = tpu.vector_load %arg7[%swap3A_105] {strides = array<i32>} : memref<6400xi32, #tpu.memory_space<vmem>>, vector<16xi32>,
      tpu.vector_store %arg7[%swap3A_105], %mul3A_102 {strides = array<i32>} : memref<6400xi32, #tpu.memory_space<vmem>>, vector<16xi32>,
      %mul3A_107 = arith.constant 50 : i32
      %mul3A_108 = vector.broadcast %mul3A_107 : i32 to vector<16xi32>
      %mul3A_109 = arith.muli %get3A_89, %mul3A_108 : vector<16xi32>
      %mul3A_110 = arith.constant 16 : i32
      %mul3A_111 = arith.muli %scan3A_81, %mul3A_110 : i32
      %swap3A_112 = arith.index_cast %mul3A_111 : i32 to index
      %swap3A_113 = tpu.vector_load %arg8[%swap3A_112] {strides = array<i32>} : memref<6400xi32, #tpu.memory_space<vmem>>, vector<16xi32>,
      tpu.vector_store %arg8[%swap3A_112], %mul3A_109 {strides = array<i32>} : memref<6400xi32, #tpu.memory_space<vmem>>, vector<16xi32>,
      %mul3A_114 = arith.constant 50 : i32
      %mul3A_115 = vector.broadcast %mul3A_114 : i32 to vector<16xi32>
      %mul3A_116 = arith.muli %get3A_93, %mul3A_115 : vector<16xi32>
      %mul3A_117 = arith.constant 16 : i32
      %mul3A_118 = arith.muli %scan3A_81, %mul3A_117 : i32
      %swap3A_119 = arith.index_cast %mul3A_118 : i32 to index
      %swap3A_120 = tpu.vector_load %arg9[%swap3A_119] {strides = array<i32>} : memref<6400xi32, #tpu.memory_space<vmem>>, vector<16xi32>,
      tpu.vector_store %arg9[%swap3A_119], %mul3A_116 {strides = array<i32>} : memref<6400xi32, #tpu.memory_space<vmem>>, vector<16xi32>,
      %scan3A_121 = arith.constant 0 : i32
      scf.yield %scan3A_121 : i32
    }
    %scan3A_28 = arith.constant 400 : i32
    %scan3A_29 = arith.constant 0 : i32
    %scan3A_30 = arith.constant 0 : i32
    %scan3A_31 = arith.constant 8 : i32
    %scan3A_32 = arith.addi %scan3A_30, %scan3A_31 : i32
    %scan3A_33 = arith.constant 1 : i32
    %scan3A_34 = scf.for %scan3A_40 = %scan3A_30 to %scan3A_32 step %scan3A_33 iter_args(%scan3A_41 = %scan3A_29) -> (i32)  : i32 {
      %mul3A_42 = arith.constant 16 : i32
      %mul3A_43 = arith.muli %scan3A_40, %mul3A_42 : i32
      %scan3A_44 = arith.constant 0 : i32
      %scan3A_45 = arith.constant 0 : i32
      %scan3A_46 = arith.constant 25 : i32
      %scan3A_47 = arith.addi %scan3A_45, %scan3A_46 : i32
      %scan3A_48 = arith.constant 1 : i32
      %scan3A_49 = scf.for %scan3A_57 = %scan3A_45 to %scan3A_47 step %scan3A_48 iter_args(%scan3A_58 = %scan3A_44) -> (i32)  : i32 {
        %mul3A_59 = arith.constant 2 : i32
        %mul3A_60 = arith.muli %scan3A_57, %mul3A_59 : i32
        %scan3A_61 = arith.constant 0 : i32
        %scan3A_62 = arith.constant 48 : i32
        %scan3A_63 = arith.addi %scan3A_61, %scan3A_62 : i32
        %scan3A_64 = arith.constant 4 : i32
        %scan3A_65:16 = scf.for %scan3A_339 = %scan3A_61 to %scan3A_63 step %scan3A_64 iter_args(%scan3A_340 = %broadcast_in_dim3A_13, %scan3A_341 = %broadcast_in_dim3A_13, %scan3A_342 = %broadcast_in_dim3A_13, %scan3A_343 = %broadcast_in_dim3A_13, %scan3A_344 = %broadcast_in_dim3A_13, %scan3A_345 = %broadcast_in_dim3A_13, %scan3A_346 = %broadcast_in_dim3A_13, %scan3A_347 = %broadcast_in_dim3A_13, %scan3A_348 = %broadcast_in_dim3A_13, %scan3A_349 = %broadcast_in_dim3A_13, %scan3A_350 = %broadcast_in_dim3A_13, %scan3A_351 = %broadcast_in_dim3A_13, %scan3A_352 = %broadcast_in_dim3A_13, %scan3A_353 = %broadcast_in_dim3A_13, %scan3A_354 = %broadcast_in_dim3A_13, %scan3A_355 = %broadcast_in_dim3A_13) -> (vector<16xf32>, vector<16xf32>, vector<16xf32>, vector<16xf32>, vector<16xf32>, vector<16xf32>, vector<16xf32>, vector<16xf32>, vector<16xf32>, vector<16xf32>, vector<16xf32>, vector<16xf32>, vector<16xf32>, vector<16xf32>, vector<16xf32>, vector<16xf32>)  : i32 {
          %mul3A_356 = arith.constant 128 : i32
          %mul3A_357 = arith.muli %scan3A_339, %mul3A_356 : i32
          %add3A_358 = arith.addi %mul3A_357, %mul3A_43 : i32
          %get3A_359 = arith.index_cast %add3A_358 : i32 to index
          %get3A_360 = tpu.vector_load %arg7[%get3A_359] {strides = array<i32>} : memref<6400xi32, #tpu.memory_space<vmem>>, vector<16xi32>,
          %mul3A_361 = arith.constant 128 : i32
          %mul3A_362 = arith.muli %scan3A_339, %mul3A_361 : i32
          %add3A_363 = arith.addi %mul3A_362, %mul3A_43 : i32
          %get3A_364 = arith.index_cast %add3A_363 : i32 to index
          %get3A_365 = tpu.vector_load %arg8[%get3A_364] {strides = array<i32>} : memref<6400xi32, #tpu.memory_space<vmem>>, vector<16xi32>,
          %mul3A_366 = arith.constant 128 : i32
          %mul3A_367 = arith.muli %scan3A_339, %mul3A_366 : i32
          %add3A_368 = arith.addi %mul3A_367, %mul3A_43 : i32
          %get3A_369 = arith.index_cast %add3A_368 : i32 to index
          %get3A_370 = tpu.vector_load %arg9[%get3A_369] {strides = array<i32>} : memref<6400xi32, #tpu.memory_space<vmem>>, vector<16xi32>,
          %add3A_371 = arith.constant 0 : i32
          %add3A_372 = arith.addi %mul3A_60, %add3A_371 : i32
          %add3A_373 = vector.broadcast %add3A_372 : i32 to vector<16xi32>
          %add3A_374 = arith.addi %get3A_360, %add3A_373 : vector<16xi32>
          %gather3A_375 = tpu.vector_load_idx %arg6[%add3A_374] : memref<50000xf32, #tpu.memory_space<vmem>>[vector<16xi32>], vector<16xf32>,
          %add3A_376 = arith.constant 0 : i32
          %add3A_377 = arith.addi %mul3A_60, %add3A_376 : i32
          %add3A_378 = vector.broadcast %add3A_377 : i32 to vector<16xi32>
          %add3A_379 = arith.addi %get3A_365, %add3A_378 : vector<16xi32>
          %gather3A_380 = tpu.vector_load_idx %arg6[%add3A_379] : memref<50000xf32, #tpu.memory_space<vmem>>[vector<16xi32>], vector<16xf32>,
          %add3A_381 = arith.constant 0 : i32
          %add3A_382 = arith.addi %mul3A_60, %add3A_381 : i32
          %add3A_383 = vector.broadcast %add3A_382 : i32 to vector<16xi32>
          %add3A_384 = arith.addi %get3A_370, %add3A_383 : vector<16xi32>
          %gather3A_385 = tpu.vector_load_idx %arg6[%add3A_384] : memref<50000xf32, #tpu.memory_space<vmem>>[vector<16xi32>], vector<16xf32>,
          %add3A_386 = arith.addf %scan3A_340, %gather3A_375 : vector<16xf32>
          %add3A_387 = arith.addf %scan3A_341, %gather3A_380 : vector<16xf32>
          %add3A_388 = arith.addf %scan3A_342, %gather3A_385 : vector<16xf32>
          %mul3A_389 = arith.mulf %gather3A_375, %gather3A_375 : vector<16xf32>
          %add3A_390 = arith.addf %scan3A_343, %mul3A_389 : vector<16xf32>
          %mul3A_391 = arith.mulf %gather3A_380, %gather3A_380 : vector<16xf32>
          %add3A_392 = arith.addf %scan3A_344, %mul3A_391 : vector<16xf32>
          %mul3A_393 = arith.mulf %gather3A_385, %gather3A_385 : vector<16xf32>
          %add3A_394 = arith.addf %scan3A_345, %mul3A_393 : vector<16xf32>
          %mul3A_395 = arith.mulf %gather3A_375, %gather3A_380 : vector<16xf32>
          %add3A_396 = arith.addf %scan3A_346, %mul3A_395 : vector<16xf32>
          %mul3A_397 = arith.mulf %gather3A_375, %gather3A_385 : vector<16xf32>
          %add3A_398 = arith.addf %scan3A_347, %mul3A_397 : vector<16xf32>
          %add3A_399 = arith.constant 1 : i32
          %add3A_400 = arith.addi %mul3A_60, %add3A_399 : i32
          %add3A_401 = vector.broadcast %add3A_400 : i32 to vector<16xi32>
          %add3A_402 = arith.addi %get3A_360, %add3A_401 : vector<16xi32>
          %gather3A_403 = tpu.vector_load_idx %arg6[%add3A_402] : memref<50000xf32, #tpu.memory_space<vmem>>[vector<16xi32>], vector<16xf32>,
          %add3A_404 = arith.constant 1 : i32
          %add3A_405 = arith.addi %mul3A_60, %add3A_404 : i32
          %add3A_406 = vector.broadcast %add3A_405 : i32 to vector<16xi32>
          %add3A_407 = arith.addi %get3A_365, %add3A_406 : vector<16xi32>
          %gather3A_408 = tpu.vector_load_idx %arg6[%add3A_407] : memref<50000xf32, #tpu.memory_space<vmem>>[vector<16xi32>], vector<16xf32>,
          %add3A_409 = arith.constant 1 : i32
          %add3A_410 = arith.addi %mul3A_60, %add3A_409 : i32
          %add3A_411 = vector.broadcast %add3A_410 : i32 to vector<16xi32>
          %add3A_412 = arith.addi %get3A_370, %add3A_411 : vector<16xi32>
          %gather3A_413 = tpu.vector_load_idx %arg6[%add3A_412] : memref<50000xf32, #tpu.memory_space<vmem>>[vector<16xi32>], vector<16xf32>,
          %add3A_414 = arith.addf %scan3A_348, %gather3A_403 : vector<16xf32>
          %add3A_415 = arith.addf %scan3A_349, %gather3A_408 : vector<16xf32>
          %add3A_416 = arith.addf %scan3A_350, %gather3A_413 : vector<16xf32>
          %mul3A_417 = arith.mulf %gather3A_403, %gather3A_403 : vector<16xf32>
          %add3A_418 = arith.addf %scan3A_351, %mul3A_417 : vector<16xf32>
          %mul3A_419 = arith.mulf %gather3A_408, %gather3A_408 : vector<16xf32>
          %add3A_420 = arith.addf %scan3A_352, %mul3A_419 : vector<16xf32>
          %mul3A_421 = arith.mulf %gather3A_413, %gather3A_413 : vector<16xf32>
          %add3A_422 = arith.addf %scan3A_353, %mul3A_421 : vector<16xf32>
          %mul3A_423 = arith.mulf %gather3A_403, %gather3A_408 : vector<16xf32>
          %add3A_424 = arith.addf %scan3A_354, %mul3A_423 : vector<16xf32>
          %mul3A_425 = arith.mulf %gather3A_403, %gather3A_413 : vector<16xf32>
          %add3A_426 = arith.addf %scan3A_355, %mul3A_425 : vector<16xf32>
          %scan3A_427 = arith.constant 1 : i32
          %scan3A_428 = arith.addi %scan3A_339, %scan3A_427 : i32
          %mul3A_429 = arith.constant 128 : i32
          %mul3A_430 = arith.muli %scan3A_428, %mul3A_429 : i32
          %add3A_431 = arith.addi %mul3A_430, %mul3A_43 : i32
          %get3A_432 = arith.index_cast %add3A_431 : i32 to index
          %get3A_433 = tpu.vector_load %arg7[%get3A_432] {strides = array<i32>} : memref<6400xi32, #tpu.memory_space<vmem>>, vector<16xi32>,
          %mul3A_434 = arith.constant 128 : i32
          %mul3A_435 = arith.muli %scan3A_428, %mul3A_434 : i32
          %add3A_436 = arith.addi %mul3A_435, %mul3A_43 : i32
          %get3A_437 = arith.index_cast %add3A_436 : i32 to index
          %get3A_438 = tpu.vector_load %arg8[%get3A_437] {strides = array<i32>} : memref<6400xi32, #tpu.memory_space<vmem>>, vector<16xi32>,
          %mul3A_439 = arith.constant 128 : i32
          %mul3A_440 = arith.muli %scan3A_428, %mul3A_439 : i32
          %add3A_441 = arith.addi %mul3A_440, %mul3A_43 : i32
          %get3A_442 = arith.index_cast %add3A_441 : i32 to index
          %get3A_443 = tpu.vector_load %arg9[%get3A_442] {strides = array<i32>} : memref<6400xi32, #tpu.memory_space<vmem>>, vector<16xi32>,
          %add3A_444 = arith.constant 0 : i32
          %add3A_445 = arith.addi %mul3A_60, %add3A_444 : i32
          %add3A_446 = vector.broadcast %add3A_445 : i32 to vector<16xi32>
          %add3A_447 = arith.addi %get3A_433, %add3A_446 : vector<16xi32>
          %gather3A_448 = tpu.vector_load_idx %arg6[%add3A_447] : memref<50000xf32, #tpu.memory_space<vmem>>[vector<16xi32>], vector<16xf32>,
          %add3A_449 = arith.constant 0 : i32
          %add3A_450 = arith.addi %mul3A_60, %add3A_449 : i32
          %add3A_451 = vector.broadcast %add3A_450 : i32 to vector<16xi32>
          %add3A_452 = arith.addi %get3A_438, %add3A_451 : vector<16xi32>
          %gather3A_453 = tpu.vector_load_idx %arg6[%add3A_452] : memref<50000xf32, #tpu.memory_space<vmem>>[vector<16xi32>], vector<16xf32>,
          %add3A_454 = arith.constant 0 : i32
          %add3A_455 = arith.addi %mul3A_60, %add3A_454 : i32
          %add3A_456 = vector.broadcast %add3A_455 : i32 to vector<16xi32>
          %add3A_457 = arith.addi %get3A_443, %add3A_456 : vector<16xi32>
          %gather3A_458 = tpu.vector_load_idx %arg6[%add3A_457] : memref<50000xf32, #tpu.memory_space<vmem>>[vector<16xi32>], vector<16xf32>,
          %add3A_459 = arith.addf %add3A_386, %gather3A_448 : vector<16xf32>
          %add3A_460 = arith.addf %add3A_387, %gather3A_453 : vector<16xf32>
          %add3A_461 = arith.addf %add3A_388, %gather3A_458 : vector<16xf32>
          %mul3A_462 = arith.mulf %gather3A_448, %gather3A_448 : vector<16xf32>
          %add3A_463 = arith.addf %add3A_390, %mul3A_462 : vector<16xf32>
          %mul3A_464 = arith.mulf %gather3A_453, %gather3A_453 : vector<16xf32>
          %add3A_465 = arith.addf %add3A_392, %mul3A_464 : vector<16xf32>
          %mul3A_466 = arith.mulf %gather3A_458, %gather3A_458 : vector<16xf32>
          %add3A_467 = arith.addf %add3A_394, %mul3A_466 : vector<16xf32>
          %mul3A_468 = arith.mulf %gather3A_448, %gather3A_453 : vector<16xf32>
          %add3A_469 = arith.addf %add3A_396, %mul3A_468 : vector<16xf32>
          %mul3A_470 = arith.mulf %gather3A_448, %gather3A_458 : vector<16xf32>
          %add3A_471 = arith.addf %add3A_398, %mul3A_470 : vector<16xf32>
          %add3A_472 = arith.constant 1 : i32
          %add3A_473 = arith.addi %mul3A_60, %add3A_472 : i32
          %add3A_474 = vector.broadcast %add3A_473 : i32 to vector<16xi32>
          %add3A_475 = arith.addi %get3A_433, %add3A_474 : vector<16xi32>
          %gather3A_476 = tpu.vector_load_idx %arg6[%add3A_475] : memref<50000xf32, #tpu.memory_space<vmem>>[vector<16xi32>], vector<16xf32>,
          %add3A_477 = arith.constant 1 : i32
          %add3A_478 = arith.addi %mul3A_60, %add3A_477 : i32
          %add3A_479 = vector.broadcast %add3A_478 : i32 to vector<16xi32>
          %add3A_480 = arith.addi %get3A_438, %add3A_479 : vector<16xi32>
          %gather3A_481 = tpu.vector_load_idx %arg6[%add3A_480] : memref<50000xf32, #tpu.memory_space<vmem>>[vector<16xi32>], vector<16xf32>,
          %add3A_482 = arith.constant 1 : i32
          %add3A_483 = arith.addi %mul3A_60, %add3A_482 : i32
          %add3A_484 = vector.broadcast %add3A_483 : i32 to vector<16xi32>
          %add3A_485 = arith.addi %get3A_443, %add3A_484 : vector<16xi32>
          %gather3A_486 = tpu.vector_load_idx %arg6[%add3A_485] : memref<50000xf32, #tpu.memory_space<vmem>>[vector<16xi32>], vector<16xf32>,
          %add3A_487 = arith.addf %add3A_414, %gather3A_476 : vector<16xf32>
          %add3A_488 = arith.addf %add3A_415, %gather3A_481 : vector<16xf32>
          %add3A_489 = arith.addf %add3A_416, %gather3A_486 : vector<16xf32>
          %mul3A_490 = arith.mulf %gather3A_476, %gather3A_476 : vector<16xf32>
          %add3A_491 = arith.addf %add3A_418, %mul3A_490 : vector<16xf32>
          %mul3A_492 = arith.mulf %gather3A_481, %gather3A_481 : vector<16xf32>
          %add3A_493 = arith.addf %add3A_420, %mul3A_492 : vector<16xf32>
          %mul3A_494 = arith.mulf %gather3A_486, %gather3A_486 : vector<16xf32>
          %add3A_495 = arith.addf %add3A_422, %mul3A_494 : vector<16xf32>
          %mul3A_496 = arith.mulf %gather3A_476, %gather3A_481 : vector<16xf32>
          %add3A_497 = arith.addf %add3A_424, %mul3A_496 : vector<16xf32>
          %mul3A_498 = arith.mulf %gather3A_476, %gather3A_486 : vector<16xf32>
          %add3A_499 = arith.addf %add3A_426, %mul3A_498 : vector<16xf32>
          %scan3A_500 = arith.constant 2 : i32
          %scan3A_501 = arith.addi %scan3A_339, %scan3A_500 : i32
          %mul3A_502 = arith.constant 128 : i32
          %mul3A_503 = arith.muli %scan3A_501, %mul3A_502 : i32
          %add3A_504 = arith.addi %mul3A_503, %mul3A_43 : i32
          %get3A_505 = arith.index_cast %add3A_504 : i32 to index
          %get3A_506 = tpu.vector_load %arg7[%get3A_505] {strides = array<i32>} : memref<6400xi32, #tpu.memory_space<vmem>>, vector<16xi32>,
          %mul3A_507 = arith.constant 128 : i32
          %mul3A_508 = arith.muli %scan3A_501, %mul3A_507 : i32
          %add3A_509 = arith.addi %mul3A_508, %mul3A_43 : i32
          %get3A_510 = arith.index_cast %add3A_509 : i32 to index
          %get3A_511 = tpu.vector_load %arg8[%get3A_510] {strides = array<i32>} : memref<6400xi32, #tpu.memory_space<vmem>>, vector<16xi32>,
          %mul3A_512 = arith.constant 128 : i32
          %mul3A_513 = arith.muli %scan3A_501, %mul3A_512 : i32
          %add3A_514 = arith.addi %mul3A_513, %mul3A_43 : i32
          %get3A_515 = arith.index_cast %add3A_514 : i32 to index
          %get3A_516 = tpu.vector_load %arg9[%get3A_515] {strides = array<i32>} : memref<6400xi32, #tpu.memory_space<vmem>>, vector<16xi32>,
          %add3A_517 = arith.constant 0 : i32
          %add3A_518 = arith.addi %mul3A_60, %add3A_517 : i32
          %add3A_519 = vector.broadcast %add3A_518 : i32 to vector<16xi32>
          %add3A_520 = arith.addi %get3A_506, %add3A_519 : vector<16xi32>
          %gather3A_521 = tpu.vector_load_idx %arg6[%add3A_520] : memref<50000xf32, #tpu.memory_space<vmem>>[vector<16xi32>], vector<16xf32>,
          %add3A_522 = arith.constant 0 : i32
          %add3A_523 = arith.addi %mul3A_60, %add3A_522 : i32
          %add3A_524 = vector.broadcast %add3A_523 : i32 to vector<16xi32>
          %add3A_525 = arith.addi %get3A_511, %add3A_524 : vector<16xi32>
          %gather3A_526 = tpu.vector_load_idx %arg6[%add3A_525] : memref<50000xf32, #tpu.memory_space<vmem>>[vector<16xi32>], vector<16xf32>,
          %add3A_527 = arith.constant 0 : i32
          %add3A_528 = arith.addi %mul3A_60, %add3A_527 : i32
          %add3A_529 = vector.broadcast %add3A_528 : i32 to vector<16xi32>
          %add3A_530 = arith.addi %get3A_516, %add3A_529 : vector<16xi32>
          %gather3A_531 = tpu.vector_load_idx %arg6[%add3A_530] : memref<50000xf32, #tpu.memory_space<vmem>>[vector<16xi32>], vector<16xf32>,
          %add3A_532 = arith.addf %add3A_459, %gather3A_521 : vector<16xf32>
          %add3A_533 = arith.addf %add3A_460, %gather3A_526 : vector<16xf32>
          %add3A_534 = arith.addf %add3A_461, %gather3A_531 : vector<16xf32>
          %mul3A_535 = arith.mulf %gather3A_521, %gather3A_521 : vector<16xf32>
          %add3A_536 = arith.addf %add3A_463, %mul3A_535 : vector<16xf32>
          %mul3A_537 = arith.mulf %gather3A_526, %gather3A_526 : vector<16xf32>
          %add3A_538 = arith.addf %add3A_465, %mul3A_537 : vector<16xf32>
          %mul3A_539 = arith.mulf %gather3A_531, %gather3A_531 : vector<16xf32>
          %add3A_540 = arith.addf %add3A_467, %mul3A_539 : vector<16xf32>
          %mul3A_541 = arith.mulf %gather3A_521, %gather3A_526 : vector<16xf32>
          %add3A_542 = arith.addf %add3A_469, %mul3A_541 : vector<16xf32>
          %mul3A_543 = arith.mulf %gather3A_521, %gather3A_531 : vector<16xf32>
          %add3A_544 = arith.addf %add3A_471, %mul3A_543 : vector<16xf32>
          %add3A_545 = arith.constant 1 : i32
          %add3A_546 = arith.addi %mul3A_60, %add3A_545 : i32
          %add3A_547 = vector.broadcast %add3A_546 : i32 to vector<16xi32>
          %add3A_548 = arith.addi %get3A_506, %add3A_547 : vector<16xi32>
          %gather3A_549 = tpu.vector_load_idx %arg6[%add3A_548] : memref<50000xf32, #tpu.memory_space<vmem>>[vector<16xi32>], vector<16xf32>,
          %add3A_550 = arith.constant 1 : i32
          %add3A_551 = arith.addi %mul3A_60, %add3A_550 : i32
          %add3A_552 = vector.broadcast %add3A_551 : i32 to vector<16xi32>
          %add3A_553 = arith.addi %get3A_511, %add3A_552 : vector<16xi32>
          %gather3A_554 = tpu.vector_load_idx %arg6[%add3A_553] : memref<50000xf32, #tpu.memory_space<vmem>>[vector<16xi32>], vector<16xf32>,
          %add3A_555 = arith.constant 1 : i32
          %add3A_556 = arith.addi %mul3A_60, %add3A_555 : i32
          %add3A_557 = vector.broadcast %add3A_556 : i32 to vector<16xi32>
          %add3A_558 = arith.addi %get3A_516, %add3A_557 : vector<16xi32>
          %gather3A_559 = tpu.vector_load_idx %arg6[%add3A_558] : memref<50000xf32, #tpu.memory_space<vmem>>[vector<16xi32>], vector<16xf32>,
          %add3A_560 = arith.addf %add3A_487, %gather3A_549 : vector<16xf32>
          %add3A_561 = arith.addf %add3A_488, %gather3A_554 : vector<16xf32>
          %add3A_562 = arith.addf %add3A_489, %gather3A_559 : vector<16xf32>
          %mul3A_563 = arith.mulf %gather3A_549, %gather3A_549 : vector<16xf32>
          %add3A_564 = arith.addf %add3A_491, %mul3A_563 : vector<16xf32>
          %mul3A_565 = arith.mulf %gather3A_554, %gather3A_554 : vector<16xf32>
          %add3A_566 = arith.addf %add3A_493, %mul3A_565 : vector<16xf32>
          %mul3A_567 = arith.mulf %gather3A_559, %gather3A_559 : vector<16xf32>
          %add3A_568 = arith.addf %add3A_495, %mul3A_567 : vector<16xf32>
          %mul3A_569 = arith.mulf %gather3A_549, %gather3A_554 : vector<16xf32>
          %add3A_570 = arith.addf %add3A_497, %mul3A_569 : vector<16xf32>
          %mul3A_571 = arith.mulf %gather3A_549, %gather3A_559 : vector<16xf32>
          %add3A_572 = arith.addf %add3A_499, %mul3A_571 : vector<16xf32>
          %scan3A_573 = arith.constant 3 : i32
          %scan3A_574 = arith.addi %scan3A_339, %scan3A_573 : i32
          %mul3A_575 = arith.constant 128 : i32
          %mul3A_576 = arith.muli %scan3A_574, %mul3A_575 : i32
          %add3A_577 = arith.addi %mul3A_576, %mul3A_43 : i32
          %get3A_578 = arith.index_cast %add3A_577 : i32 to index
          %get3A_579 = tpu.vector_load %arg7[%get3A_578] {strides = array<i32>} : memref<6400xi32, #tpu.memory_space<vmem>>, vector<16xi32>,
          %mul3A_580 = arith.constant 128 : i32
          %mul3A_581 = arith.muli %scan3A_574, %mul3A_580 : i32
          %add3A_582 = arith.addi %mul3A_581, %mul3A_43 : i32
          %get3A_583 = arith.index_cast %add3A_582 : i32 to index
          %get3A_584 = tpu.vector_load %arg8[%get3A_583] {strides = array<i32>} : memref<6400xi32, #tpu.memory_space<vmem>>, vector<16xi32>,
          %mul3A_585 = arith.constant 128 : i32
          %mul3A_586 = arith.muli %scan3A_574, %mul3A_585 : i32
          %add3A_587 = arith.addi %mul3A_586, %mul3A_43 : i32
          %get3A_588 = arith.index_cast %add3A_587 : i32 to index
          %get3A_589 = tpu.vector_load %arg9[%get3A_588] {strides = array<i32>} : memref<6400xi32, #tpu.memory_space<vmem>>, vector<16xi32>,
          %add3A_590 = arith.constant 0 : i32
          %add3A_591 = arith.addi %mul3A_60, %add3A_590 : i32
          %add3A_592 = vector.broadcast %add3A_591 : i32 to vector<16xi32>
          %add3A_593 = arith.addi %get3A_579, %add3A_592 : vector<16xi32>
          %gather3A_594 = tpu.vector_load_idx %arg6[%add3A_593] : memref<50000xf32, #tpu.memory_space<vmem>>[vector<16xi32>], vector<16xf32>,
          %add3A_595 = arith.constant 0 : i32
          %add3A_596 = arith.addi %mul3A_60, %add3A_595 : i32
          %add3A_597 = vector.broadcast %add3A_596 : i32 to vector<16xi32>
          %add3A_598 = arith.addi %get3A_584, %add3A_597 : vector<16xi32>
          %gather3A_599 = tpu.vector_load_idx %arg6[%add3A_598] : memref<50000xf32, #tpu.memory_space<vmem>>[vector<16xi32>], vector<16xf32>,
          %add3A_600 = arith.constant 0 : i32
          %add3A_601 = arith.addi %mul3A_60, %add3A_600 : i32
          %add3A_602 = vector.broadcast %add3A_601 : i32 to vector<16xi32>
          %add3A_603 = arith.addi %get3A_589, %add3A_602 : vector<16xi32>
          %gather3A_604 = tpu.vector_load_idx %arg6[%add3A_603] : memref<50000xf32, #tpu.memory_space<vmem>>[vector<16xi32>], vector<16xf32>,
          %add3A_605 = arith.addf %add3A_532, %gather3A_594 : vector<16xf32>
          %add3A_606 = arith.addf %add3A_533, %gather3A_599 : vector<16xf32>
          %add3A_607 = arith.addf %add3A_534, %gather3A_604 : vector<16xf32>
          %mul3A_608 = arith.mulf %gather3A_594, %gather3A_594 : vector<16xf32>
          %add3A_609 = arith.addf %add3A_536, %mul3A_608 : vector<16xf32>
          %mul3A_610 = arith.mulf %gather3A_599, %gather3A_599 : vector<16xf32>
          %add3A_611 = arith.addf %add3A_538, %mul3A_610 : vector<16xf32>
          %mul3A_612 = arith.mulf %gather3A_604, %gather3A_604 : vector<16xf32>
          %add3A_613 = arith.addf %add3A_540, %mul3A_612 : vector<16xf32>
          %mul3A_614 = arith.mulf %gather3A_594, %gather3A_599 : vector<16xf32>
          %add3A_615 = arith.addf %add3A_542, %mul3A_614 : vector<16xf32>
          %mul3A_616 = arith.mulf %gather3A_594, %gather3A_604 : vector<16xf32>
          %add3A_617 = arith.addf %add3A_544, %mul3A_616 : vector<16xf32>
          %add3A_618 = arith.constant 1 : i32
          %add3A_619 = arith.addi %mul3A_60, %add3A_618 : i32
          %add3A_620 = vector.broadcast %add3A_619 : i32 to vector<16xi32>
          %add3A_621 = arith.addi %get3A_579, %add3A_620 : vector<16xi32>
          %gather3A_622 = tpu.vector_load_idx %arg6[%add3A_621] : memref<50000xf32, #tpu.memory_space<vmem>>[vector<16xi32>], vector<16xf32>,
          %add3A_623 = arith.constant 1 : i32
          %add3A_624 = arith.addi %mul3A_60, %add3A_623 : i32
          %add3A_625 = vector.broadcast %add3A_624 : i32 to vector<16xi32>
          %add3A_626 = arith.addi %get3A_584, %add3A_625 : vector<16xi32>
          %gather3A_627 = tpu.vector_load_idx %arg6[%add3A_626] : memref<50000xf32, #tpu.memory_space<vmem>>[vector<16xi32>], vector<16xf32>,
          %add3A_628 = arith.constant 1 : i32
          %add3A_629 = arith.addi %mul3A_60, %add3A_628 : i32
          %add3A_630 = vector.broadcast %add3A_629 : i32 to vector<16xi32>
          %add3A_631 = arith.addi %get3A_589, %add3A_630 : vector<16xi32>
          %gather3A_632 = tpu.vector_load_idx %arg6[%add3A_631] : memref<50000xf32, #tpu.memory_space<vmem>>[vector<16xi32>], vector<16xf32>,
          %add3A_633 = arith.addf %add3A_560, %gather3A_622 : vector<16xf32>
          %add3A_634 = arith.addf %add3A_561, %gather3A_627 : vector<16xf32>
          %add3A_635 = arith.addf %add3A_562, %gather3A_632 : vector<16xf32>
          %mul3A_636 = arith.mulf %gather3A_622, %gather3A_622 : vector<16xf32>
          %add3A_637 = arith.addf %add3A_564, %mul3A_636 : vector<16xf32>
          %mul3A_638 = arith.mulf %gather3A_627, %gather3A_627 : vector<16xf32>
          %add3A_639 = arith.addf %add3A_566, %mul3A_638 : vector<16xf32>
          %mul3A_640 = arith.mulf %gather3A_632, %gather3A_632 : vector<16xf32>
          %add3A_641 = arith.addf %add3A_568, %mul3A_640 : vector<16xf32>
          %mul3A_642 = arith.mulf %gather3A_622, %gather3A_627 : vector<16xf32>
          %add3A_643 = arith.addf %add3A_570, %mul3A_642 : vector<16xf32>
          %mul3A_644 = arith.mulf %gather3A_622, %gather3A_632 : vector<16xf32>
          %add3A_645 = arith.addf %add3A_572, %mul3A_644 : vector<16xf32>
          scf.yield %add3A_605, %add3A_606, %add3A_607, %add3A_609, %add3A_611, %add3A_613, %add3A_615, %add3A_617, %add3A_633, %add3A_634, %add3A_635, %add3A_637, %add3A_639, %add3A_641, %add3A_643, %add3A_645 : vector<16xf32>, vector<16xf32>, vector<16xf32>, vector<16xf32>, vector<16xf32>, vector<16xf32>, vector<16xf32>, vector<16xf32>, vector<16xf32>, vector<16xf32>, vector<16xf32>, vector<16xf32>, vector<16xf32>, vector<16xf32>, vector<16xf32>, vector<16xf32>
        }
        %scan3A_66 = arith.constant 48 : i32
        %scan3A_67 = arith.addi %scan3A_61, %scan3A_66 : i32
        %mul3A_68 = arith.constant 128 : i32
        %mul3A_69 = arith.muli %scan3A_67, %mul3A_68 : i32
        %add3A_70 = arith.addi %mul3A_69, %mul3A_43 : i32
        %get3A = arith.index_cast %add3A_70 : i32 to index
        %get3A_71 = tpu.vector_load %arg7[%get3A] {strides = array<i32>} : memref<6400xi32, #tpu.memory_space<vmem>>, vector<16xi32>,
        %mul3A_72 = arith.constant 128 : i32
        %mul3A_73 = arith.muli %scan3A_67, %mul3A_72 : i32
        %add3A_74 = arith.addi %mul3A_73, %mul3A_43 : i32
        %get3A_75 = arith.index_cast %add3A_74 : i32 to index
        %get3A_76 = tpu.vector_load %arg8[%get3A_75] {strides = array<i32>} : memref<6400xi32, #tpu.memory_space<vmem>>, vector<16xi32>,
        %mul3A_77 = arith.constant 128 : i32
        %mul3A_78 = arith.muli %scan3A_67, %mul3A_77 : i32
        %add3A_79 = arith.addi %mul3A_78, %mul3A_43 : i32
        %get3A_80 = arith.index_cast %add3A_79 : i32 to index
        %get3A_81 = tpu.vector_load %arg9[%get3A_80] {strides = array<i32>} : memref<6400xi32, #tpu.memory_space<vmem>>, vector<16xi32>,
        %add3A_82 = arith.constant 0 : i32
        %add3A_83 = arith.addi %mul3A_60, %add3A_82 : i32
        %add3A_84 = vector.broadcast %add3A_83 : i32 to vector<16xi32>
        %add3A_85 = arith.addi %get3A_71, %add3A_84 : vector<16xi32>
        %gather3A = tpu.vector_load_idx %arg6[%add3A_85] : memref<50000xf32, #tpu.memory_space<vmem>>[vector<16xi32>], vector<16xf32>,
        %add3A_86 = arith.constant 0 : i32
        %add3A_87 = arith.addi %mul3A_60, %add3A_86 : i32
        %add3A_88 = vector.broadcast %add3A_87 : i32 to vector<16xi32>
        %add3A_89 = arith.addi %get3A_76, %add3A_88 : vector<16xi32>
        %gather3A_90 = tpu.vector_load_idx %arg6[%add3A_89] : memref<50000xf32, #tpu.memory_space<vmem>>[vector<16xi32>], vector<16xf32>,
        %add3A_91 = arith.constant 0 : i32
        %add3A_92 = arith.addi %mul3A_60, %add3A_91 : i32
        %add3A_93 = vector.broadcast %add3A_92 : i32 to vector<16xi32>
        %add3A_94 = arith.addi %get3A_81, %add3A_93 : vector<16xi32>
        %gather3A_95 = tpu.vector_load_idx %arg6[%add3A_94] : memref<50000xf32, #tpu.memory_space<vmem>>[vector<16xi32>], vector<16xf32>,
        %add3A_96 = arith.addf %scan3A_65#0, %gather3A : vector<16xf32>
        %add3A_97 = arith.addf %scan3A_65#1, %gather3A_90 : vector<16xf32>
        %add3A_98 = arith.addf %scan3A_65#2, %gather3A_95 : vector<16xf32>
        %mul3A_99 = arith.mulf %gather3A, %gather3A : vector<16xf32>
        %add3A_100 = arith.addf %scan3A_65#3, %mul3A_99 : vector<16xf32>
        %mul3A_101 = arith.mulf %gather3A_90, %gather3A_90 : vector<16xf32>
        %add3A_102 = arith.addf %scan3A_65#4, %mul3A_101 : vector<16xf32>
        %mul3A_103 = arith.mulf %gather3A_95, %gather3A_95 : vector<16xf32>
        %add3A_104 = arith.addf %scan3A_65#5, %mul3A_103 : vector<16xf32>
        %mul3A_105 = arith.mulf %gather3A, %gather3A_90 : vector<16xf32>
        %add3A_106 = arith.addf %scan3A_65#6, %mul3A_105 : vector<16xf32>
        %mul3A_107 = arith.mulf %gather3A, %gather3A_95 : vector<16xf32>
        %add3A_108 = arith.addf %scan3A_65#7, %mul3A_107 : vector<16xf32>
        %add3A_109 = arith.constant 1 : i32
        %add3A_110 = arith.addi %mul3A_60, %add3A_109 : i32
        %add3A_111 = vector.broadcast %add3A_110 : i32 to vector<16xi32>
        %add3A_112 = arith.addi %get3A_71, %add3A_111 : vector<16xi32>
        %gather3A_113 = tpu.vector_load_idx %arg6[%add3A_112] : memref<50000xf32, #tpu.memory_space<vmem>>[vector<16xi32>], vector<16xf32>,
        %add3A_114 = arith.constant 1 : i32
        %add3A_115 = arith.addi %mul3A_60, %add3A_114 : i32
        %add3A_116 = vector.broadcast %add3A_115 : i32 to vector<16xi32>
        %add3A_117 = arith.addi %get3A_76, %add3A_116 : vector<16xi32>
        %gather3A_118 = tpu.vector_load_idx %arg6[%add3A_117] : memref<50000xf32, #tpu.memory_space<vmem>>[vector<16xi32>], vector<16xf32>,
        %add3A_119 = arith.constant 1 : i32
        %add3A_120 = arith.addi %mul3A_60, %add3A_119 : i32
        %add3A_121 = vector.broadcast %add3A_120 : i32 to vector<16xi32>
        %add3A_122 = arith.addi %get3A_81, %add3A_121 : vector<16xi32>
        %gather3A_123 = tpu.vector_load_idx %arg6[%add3A_122] : memref<50000xf32, #tpu.memory_space<vmem>>[vector<16xi32>], vector<16xf32>,
        %add3A_124 = arith.addf %scan3A_65#8, %gather3A_113 : vector<16xf32>
        %add3A_125 = arith.addf %scan3A_65#9, %gather3A_118 : vector<16xf32>
        %add3A_126 = arith.addf %scan3A_65#10, %gather3A_123 : vector<16xf32>
        %mul3A_127 = arith.mulf %gather3A_113, %gather3A_113 : vector<16xf32>
        %add3A_128 = arith.addf %scan3A_65#11, %mul3A_127 : vector<16xf32>
        %mul3A_129 = arith.mulf %gather3A_118, %gather3A_118 : vector<16xf32>
        %add3A_130 = arith.addf %scan3A_65#12, %mul3A_129 : vector<16xf32>
        %mul3A_131 = arith.mulf %gather3A_123, %gather3A_123 : vector<16xf32>
        %add3A_132 = arith.addf %scan3A_65#13, %mul3A_131 : vector<16xf32>
        %mul3A_133 = arith.mulf %gather3A_113, %gather3A_118 : vector<16xf32>
        %add3A_134 = arith.addf %scan3A_65#14, %mul3A_133 : vector<16xf32>
        %mul3A_135 = arith.mulf %gather3A_113, %gather3A_123 : vector<16xf32>
        %add3A_136 = arith.addf %scan3A_65#15, %mul3A_135 : vector<16xf32>
        %scan3A_137 = arith.constant 49 : i32
        %scan3A_138 = arith.addi %scan3A_61, %scan3A_137 : i32
        %mul3A_139 = arith.constant 128 : i32
        %mul3A_140 = arith.muli %scan3A_138, %mul3A_139 : i32
        %add3A_141 = arith.addi %mul3A_140, %mul3A_43 : i32
        %get3A_142 = arith.index_cast %add3A_141 : i32 to index
        %get3A_143 = tpu.vector_load %arg7[%get3A_142] {strides = array<i32>} : memref<6400xi32, #tpu.memory_space<vmem>>, vector<16xi32>,
        %mul3A_144 = arith.constant 128 : i32
        %mul3A_145 = arith.muli %scan3A_138, %mul3A_144 : i32
        %add3A_146 = arith.addi %mul3A_145, %mul3A_43 : i32
        %get3A_147 = arith.index_cast %add3A_146 : i32 to index
        %get3A_148 = tpu.vector_load %arg8[%get3A_147] {strides = array<i32>} : memref<6400xi32, #tpu.memory_space<vmem>>, vector<16xi32>,
        %mul3A_149 = arith.constant 128 : i32
        %mul3A_150 = arith.muli %scan3A_138, %mul3A_149 : i32
        %add3A_151 = arith.addi %mul3A_150, %mul3A_43 : i32
        %get3A_152 = arith.index_cast %add3A_151 : i32 to index
        %get3A_153 = tpu.vector_load %arg9[%get3A_152] {strides = array<i32>} : memref<6400xi32, #tpu.memory_space<vmem>>, vector<16xi32>,
        %add3A_154 = arith.constant 0 : i32
        %add3A_155 = arith.addi %mul3A_60, %add3A_154 : i32
        %add3A_156 = vector.broadcast %add3A_155 : i32 to vector<16xi32>
        %add3A_157 = arith.addi %get3A_143, %add3A_156 : vector<16xi32>
        %gather3A_158 = tpu.vector_load_idx %arg6[%add3A_157] : memref<50000xf32, #tpu.memory_space<vmem>>[vector<16xi32>], vector<16xf32>,
        %add3A_159 = arith.constant 0 : i32
        %add3A_160 = arith.addi %mul3A_60, %add3A_159 : i32
        %add3A_161 = vector.broadcast %add3A_160 : i32 to vector<16xi32>
        %add3A_162 = arith.addi %get3A_148, %add3A_161 : vector<16xi32>
        %gather3A_163 = tpu.vector_load_idx %arg6[%add3A_162] : memref<50000xf32, #tpu.memory_space<vmem>>[vector<16xi32>], vector<16xf32>,
        %add3A_164 = arith.constant 0 : i32
        %add3A_165 = arith.addi %mul3A_60, %add3A_164 : i32
        %add3A_166 = vector.broadcast %add3A_165 : i32 to vector<16xi32>
        %add3A_167 = arith.addi %get3A_153, %add3A_166 : vector<16xi32>
        %gather3A_168 = tpu.vector_load_idx %arg6[%add3A_167] : memref<50000xf32, #tpu.memory_space<vmem>>[vector<16xi32>], vector<16xf32>,
        %add3A_169 = arith.addf %add3A_96, %gather3A_158 : vector<16xf32>
        %add3A_170 = arith.addf %add3A_97, %gather3A_163 : vector<16xf32>
        %add3A_171 = arith.addf %add3A_98, %gather3A_168 : vector<16xf32>
        %mul3A_172 = arith.mulf %gather3A_158, %gather3A_158 : vector<16xf32>
        %add3A_173 = arith.addf %add3A_100, %mul3A_172 : vector<16xf32>
        %mul3A_174 = arith.mulf %gather3A_163, %gather3A_163 : vector<16xf32>
        %add3A_175 = arith.addf %add3A_102, %mul3A_174 : vector<16xf32>
        %mul3A_176 = arith.mulf %gather3A_168, %gather3A_168 : vector<16xf32>
        %add3A_177 = arith.addf %add3A_104, %mul3A_176 : vector<16xf32>
        %mul3A_178 = arith.mulf %gather3A_158, %gather3A_163 : vector<16xf32>
        %add3A_179 = arith.addf %add3A_106, %mul3A_178 : vector<16xf32>
        %mul3A_180 = arith.mulf %gather3A_158, %gather3A_168 : vector<16xf32>
        %add3A_181 = arith.addf %add3A_108, %mul3A_180 : vector<16xf32>
        %add3A_182 = arith.constant 1 : i32
        %add3A_183 = arith.addi %mul3A_60, %add3A_182 : i32
        %add3A_184 = vector.broadcast %add3A_183 : i32 to vector<16xi32>
        %add3A_185 = arith.addi %get3A_143, %add3A_184 : vector<16xi32>
        %gather3A_186 = tpu.vector_load_idx %arg6[%add3A_185] : memref<50000xf32, #tpu.memory_space<vmem>>[vector<16xi32>], vector<16xf32>,
        %add3A_187 = arith.constant 1 : i32
        %add3A_188 = arith.addi %mul3A_60, %add3A_187 : i32
        %add3A_189 = vector.broadcast %add3A_188 : i32 to vector<16xi32>
        %add3A_190 = arith.addi %get3A_148, %add3A_189 : vector<16xi32>
        %gather3A_191 = tpu.vector_load_idx %arg6[%add3A_190] : memref<50000xf32, #tpu.memory_space<vmem>>[vector<16xi32>], vector<16xf32>,
        %add3A_192 = arith.constant 1 : i32
        %add3A_193 = arith.addi %mul3A_60, %add3A_192 : i32
        %add3A_194 = vector.broadcast %add3A_193 : i32 to vector<16xi32>
        %add3A_195 = arith.addi %get3A_153, %add3A_194 : vector<16xi32>
        %gather3A_196 = tpu.vector_load_idx %arg6[%add3A_195] : memref<50000xf32, #tpu.memory_space<vmem>>[vector<16xi32>], vector<16xf32>,
        %add3A_197 = arith.addf %add3A_124, %gather3A_186 : vector<16xf32>
        %add3A_198 = arith.addf %add3A_125, %gather3A_191 : vector<16xf32>
        %add3A_199 = arith.addf %add3A_126, %gather3A_196 : vector<16xf32>
        %mul3A_200 = arith.mulf %gather3A_186, %gather3A_186 : vector<16xf32>
        %add3A_201 = arith.addf %add3A_128, %mul3A_200 : vector<16xf32>
        %mul3A_202 = arith.mulf %gather3A_191, %gather3A_191 : vector<16xf32>
        %add3A_203 = arith.addf %add3A_130, %mul3A_202 : vector<16xf32>
        %mul3A_204 = arith.mulf %gather3A_196, %gather3A_196 : vector<16xf32>
        %add3A_205 = arith.addf %add3A_132, %mul3A_204 : vector<16xf32>
        %mul3A_206 = arith.mulf %gather3A_186, %gather3A_191 : vector<16xf32>
        %add3A_207 = arith.addf %add3A_134, %mul3A_206 : vector<16xf32>
        %mul3A_208 = arith.mulf %gather3A_186, %gather3A_196 : vector<16xf32>
        %add3A_209 = arith.addf %add3A_136, %mul3A_208 : vector<16xf32>
        %scan3A_210 = arith.constant 50 : i32
        %add3A_211 = arith.constant 0 : i32
        %add3A_212 = arith.addi %mul3A_60, %add3A_211 : i32
        %mul3A_213 = arith.constant 16 : i32
        %mul3A_214 = arith.muli %add3A_212, %mul3A_213 : i32
        %add3A_215 = arith.constant 0 : i32
        %add3A_216 = arith.addi %add3A_215, %mul3A_214 : i32
        %swap3A = arith.index_cast %add3A_216 : i32 to index
        %swap3A_217 = tpu.vector_load %arg10[%swap3A] {strides = array<i32>} : memref<6400xf32, #tpu.memory_space<vmem>>, vector<16xf32>,
        tpu.vector_store %arg10[%swap3A], %add3A_169 {strides = array<i32>} : memref<6400xf32, #tpu.memory_space<vmem>>, vector<16xf32>,
        %add3A_218 = arith.constant 0 : i32
        %add3A_219 = arith.addi %mul3A_60, %add3A_218 : i32
        %mul3A_220 = arith.constant 16 : i32
        %mul3A_221 = arith.muli %add3A_219, %mul3A_220 : i32
        %add3A_222 = arith.constant 800 : i32
        %add3A_223 = arith.addi %add3A_222, %mul3A_221 : i32
        %swap3A_224 = arith.index_cast %add3A_223 : i32 to index
        %swap3A_225 = tpu.vector_load %arg10[%swap3A_224] {strides = array<i32>} : memref<6400xf32, #tpu.memory_space<vmem>>, vector<16xf32>,
        tpu.vector_store %arg10[%swap3A_224], %add3A_170 {strides = array<i32>} : memref<6400xf32, #tpu.memory_space<vmem>>, vector<16xf32>,
        %add3A_226 = arith.constant 0 : i32
        %add3A_227 = arith.addi %mul3A_60, %add3A_226 : i32
        %mul3A_228 = arith.constant 16 : i32
        %mul3A_229 = arith.muli %add3A_227, %mul3A_228 : i32
        %add3A_230 = arith.constant 1600 : i32
        %add3A_231 = arith.addi %add3A_230, %mul3A_229 : i32
        %swap3A_232 = arith.index_cast %add3A_231 : i32 to index
        %swap3A_233 = tpu.vector_load %arg10[%swap3A_232] {strides = array<i32>} : memref<6400xf32, #tpu.memory_space<vmem>>, vector<16xf32>,
        tpu.vector_store %arg10[%swap3A_232], %add3A_171 {strides = array<i32>} : memref<6400xf32, #tpu.memory_space<vmem>>, vector<16xf32>,
        %add3A_234 = arith.constant 0 : i32
        %add3A_235 = arith.addi %mul3A_60, %add3A_234 : i32
        %mul3A_236 = arith.constant 16 : i32
        %mul3A_237 = arith.muli %add3A_235, %mul3A_236 : i32
        %add3A_238 = arith.constant 2400 : i32
        %add3A_239 = arith.addi %add3A_238, %mul3A_237 : i32
        %swap3A_240 = arith.index_cast %add3A_239 : i32 to index
        %swap3A_241 = tpu.vector_load %arg10[%swap3A_240] {strides = array<i32>} : memref<6400xf32, #tpu.memory_space<vmem>>, vector<16xf32>,
        tpu.vector_store %arg10[%swap3A_240], %add3A_173 {strides = array<i32>} : memref<6400xf32, #tpu.memory_space<vmem>>, vector<16xf32>,
        %add3A_242 = arith.constant 0 : i32
        %add3A_243 = arith.addi %mul3A_60, %add3A_242 : i32
        %mul3A_244 = arith.constant 16 : i32
        %mul3A_245 = arith.muli %add3A_243, %mul3A_244 : i32
        %add3A_246 = arith.constant 3200 : i32
        %add3A_247 = arith.addi %add3A_246, %mul3A_245 : i32
        %swap3A_248 = arith.index_cast %add3A_247 : i32 to index
        %swap3A_249 = tpu.vector_load %arg10[%swap3A_248] {strides = array<i32>} : memref<6400xf32, #tpu.memory_space<vmem>>, vector<16xf32>,
        tpu.vector_store %arg10[%swap3A_248], %add3A_175 {strides = array<i32>} : memref<6400xf32, #tpu.memory_space<vmem>>, vector<16xf32>,
        %add3A_250 = arith.constant 0 : i32
        %add3A_251 = arith.addi %mul3A_60, %add3A_250 : i32
        %mul3A_252 = arith.constant 16 : i32
        %mul3A_253 = arith.muli %add3A_251, %mul3A_252 : i32
        %add3A_254 = arith.constant 4000 : i32
        %add3A_255 = arith.addi %add3A_254, %mul3A_253 : i32
        %swap3A_256 = arith.index_cast %add3A_255 : i32 to index
        %swap3A_257 = tpu.vector_load %arg10[%swap3A_256] {strides = array<i32>} : memref<6400xf32, #tpu.memory_space<vmem>>, vector<16xf32>,
        tpu.vector_store %arg10[%swap3A_256], %add3A_177 {strides = array<i32>} : memref<6400xf32, #tpu.memory_space<vmem>>, vector<16xf32>,
        %add3A_258 = arith.constant 0 : i32
        %add3A_259 = arith.addi %mul3A_60, %add3A_258 : i32
        %mul3A_260 = arith.constant 16 : i32
        %mul3A_261 = arith.muli %add3A_259, %mul3A_260 : i32
        %add3A_262 = arith.constant 4800 : i32
        %add3A_263 = arith.addi %add3A_262, %mul3A_261 : i32
        %swap3A_264 = arith.index_cast %add3A_263 : i32 to index
        %swap3A_265 = tpu.vector_load %arg10[%swap3A_264] {strides = array<i32>} : memref<6400xf32, #tpu.memory_space<vmem>>, vector<16xf32>,
        tpu.vector_store %arg10[%swap3A_264], %add3A_179 {strides = array<i32>} : memref<6400xf32, #tpu.memory_space<vmem>>, vector<16xf32>,
        %add3A_266 = arith.constant 0 : i32
        %add3A_267 = arith.addi %mul3A_60, %add3A_266 : i32
        %mul3A_268 = arith.constant 16 : i32
        %mul3A_269 = arith.muli %add3A_267, %mul3A_268 : i32
        %add3A_270 = arith.constant 5600 : i32
        %add3A_271 = arith.addi %add3A_270, %mul3A_269 : i32
        %swap3A_272 = arith.index_cast %add3A_271 : i32 to index
        %swap3A_273 = tpu.vector_load %arg10[%swap3A_272] {strides = array<i32>} : memref<6400xf32, #tpu.memory_space<vmem>>, vector<16xf32>,
        tpu.vector_store %arg10[%swap3A_272], %add3A_181 {strides = array<i32>} : memref<6400xf32, #tpu.memory_space<vmem>>, vector<16xf32>,
        %add3A_274 = arith.constant 1 : i32
        %add3A_275 = arith.addi %mul3A_60, %add3A_274 : i32
        %mul3A_276 = arith.constant 16 : i32
        %mul3A_277 = arith.muli %add3A_275, %mul3A_276 : i32
        %add3A_278 = arith.constant 0 : i32
        %add3A_279 = arith.addi %add3A_278, %mul3A_277 : i32
        %swap3A_280 = arith.index_cast %add3A_279 : i32 to index
        %swap3A_281 = tpu.vector_load %arg10[%swap3A_280] {strides = array<i32>} : memref<6400xf32, #tpu.memory_space<vmem>>, vector<16xf32>,
        tpu.vector_store %arg10[%swap3A_280], %add3A_197 {strides = array<i32>} : memref<6400xf32, #tpu.memory_space<vmem>>, vector<16xf32>,
        %add3A_282 = arith.constant 1 : i32
        %add3A_283 = arith.addi %mul3A_60, %add3A_282 : i32
        %mul3A_284 = arith.constant 16 : i32
        %mul3A_285 = arith.muli %add3A_283, %mul3A_284 : i32
        %add3A_286 = arith.constant 800 : i32
        %add3A_287 = arith.addi %add3A_286, %mul3A_285 : i32
        %swap3A_288 = arith.index_cast %add3A_287 : i32 to index
        %swap3A_289 = tpu.vector_load %arg10[%swap3A_288] {strides = array<i32>} : memref<6400xf32, #tpu.memory_space<vmem>>, vector<16xf32>,
        tpu.vector_store %arg10[%swap3A_288], %add3A_198 {strides = array<i32>} : memref<6400xf32, #tpu.memory_space<vmem>>, vector<16xf32>,
        %add3A_290 = arith.constant 1 : i32
        %add3A_291 = arith.addi %mul3A_60, %add3A_290 : i32
        %mul3A_292 = arith.constant 16 : i32
        %mul3A_293 = arith.muli %add3A_291, %mul3A_292 : i32
        %add3A_294 = arith.constant 1600 : i32
        %add3A_295 = arith.addi %add3A_294, %mul3A_293 : i32
        %swap3A_296 = arith.index_cast %add3A_295 : i32 to index
        %swap3A_297 = tpu.vector_load %arg10[%swap3A_296] {strides = array<i32>} : memref<6400xf32, #tpu.memory_space<vmem>>, vector<16xf32>,
        tpu.vector_store %arg10[%swap3A_296], %add3A_199 {strides = array<i32>} : memref<6400xf32, #tpu.memory_space<vmem>>, vector<16xf32>,
        %add3A_298 = arith.constant 1 : i32
        %add3A_299 = arith.addi %mul3A_60, %add3A_298 : i32
        %mul3A_300 = arith.constant 16 : i32
        %mul3A_301 = arith.muli %add3A_299, %mul3A_300 : i32
        %add3A_302 = arith.constant 2400 : i32
        %add3A_303 = arith.addi %add3A_302, %mul3A_301 : i32
        %swap3A_304 = arith.index_cast %add3A_303 : i32 to index
        %swap3A_305 = tpu.vector_load %arg10[%swap3A_304] {strides = array<i32>} : memref<6400xf32, #tpu.memory_space<vmem>>, vector<16xf32>,
        tpu.vector_store %arg10[%swap3A_304], %add3A_201 {strides = array<i32>} : memref<6400xf32, #tpu.memory_space<vmem>>, vector<16xf32>,
        %add3A_306 = arith.constant 1 : i32
        %add3A_307 = arith.addi %mul3A_60, %add3A_306 : i32
        %mul3A_308 = arith.constant 16 : i32
        %mul3A_309 = arith.muli %add3A_307, %mul3A_308 : i32
        %add3A_310 = arith.constant 3200 : i32
        %add3A_311 = arith.addi %add3A_310, %mul3A_309 : i32
        %swap3A_312 = arith.index_cast %add3A_311 : i32 to index
        %swap3A_313 = tpu.vector_load %arg10[%swap3A_312] {strides = array<i32>} : memref<6400xf32, #tpu.memory_space<vmem>>, vector<16xf32>,
        tpu.vector_store %arg10[%swap3A_312], %add3A_203 {strides = array<i32>} : memref<6400xf32, #tpu.memory_space<vmem>>, vector<16xf32>,
        %add3A_314 = arith.constant 1 : i32
        %add3A_315 = arith.addi %mul3A_60, %add3A_314 : i32
        %mul3A_316 = arith.constant 16 : i32
        %mul3A_317 = arith.muli %add3A_315, %mul3A_316 : i32
        %add3A_318 = arith.constant 4000 : i32
        %add3A_319 = arith.addi %add3A_318, %mul3A_317 : i32
        %swap3A_320 = arith.index_cast %add3A_319 : i32 to index
        %swap3A_321 = tpu.vector_load %arg10[%swap3A_320] {strides = array<i32>} : memref<6400xf32, #tpu.memory_space<vmem>>, vector<16xf32>,
        tpu.vector_store %arg10[%swap3A_320], %add3A_205 {strides = array<i32>} : memref<6400xf32, #tpu.memory_space<vmem>>, vector<16xf32>,
        %add3A_322 = arith.constant 1 : i32
        %add3A_323 = arith.addi %mul3A_60, %add3A_322 : i32
        %mul3A_324 = arith.constant 16 : i32
        %mul3A_325 = arith.muli %add3A_323, %mul3A_324 : i32
        %add3A_326 = arith.constant 4800 : i32
        %add3A_327 = arith.addi %add3A_326, %mul3A_325 : i32
        %swap3A_328 = arith.index_cast %add3A_327 : i32 to index
        %swap3A_329 = tpu.vector_load %arg10[%swap3A_328] {strides = array<i32>} : memref<6400xf32, #tpu.memory_space<vmem>>, vector<16xf32>,
        tpu.vector_store %arg10[%swap3A_328], %add3A_207 {strides = array<i32>} : memref<6400xf32, #tpu.memory_space<vmem>>, vector<16xf32>,
        %add3A_330 = arith.constant 1 : i32
        %add3A_331 = arith.addi %mul3A_60, %add3A_330 : i32
        %mul3A_332 = arith.constant 16 : i32
        %mul3A_333 = arith.muli %add3A_331, %mul3A_332 : i32
        %add3A_334 = arith.constant 5600 : i32
        %add3A_335 = arith.addi %add3A_334, %mul3A_333 : i32
        %swap3A_336 = arith.index_cast %add3A_335 : i32 to index
        %swap3A_337 = tpu.vector_load %arg10[%swap3A_336] {strides = array<i32>} : memref<6400xf32, #tpu.memory_space<vmem>>, vector<16xf32>,
        tpu.vector_store %arg10[%swap3A_336], %add3A_209 {strides = array<i32>} : memref<6400xf32, #tpu.memory_space<vmem>>, vector<16xf32>,
        %scan3A_338 = arith.constant 0 : i32
        scf.yield %scan3A_338 : i32
      }
      %scan3A_50 = arith.constant 25 : i32
      %mul3A_51 = arith.constant 8 : i32
      %mul3A_52 = arith.muli %add3A, %mul3A_51 : i32
      %add3A_53 = arith.addi %mul3A_52, %scan3A_40 : i32
      %mul3A_54 = arith.constant 6400 : i32
      %mul3A_55 = arith.muli %add3A_53, %mul3A_54 : i32
      "tpu.region"() ({
        %run_scoped3A = tpu.sem_alloc : memref<!tpu.dma_semaphore, #tpu.memory_space<semaphore_mem>>
        %dma_start3A = tpu.memref_slice %arg4[%mul3A_55] : memref<1638400xf32, #tpu.memory_space<hbm>> -> memref<6400xf32, #tpu.memory_space<hbm>>
        %dma_start3A_57 = tpu.memref_slice %arg4[%mul3A_55] : memref<1638400xf32, #tpu.memory_space<hbm>> -> memref<6400xf32, #tpu.memory_space<hbm>>
        tpu.enqueue_dma source(%arg10 : memref<6400xf32, #tpu.memory_space<vmem>>) target(%dma_start3A_57 : memref<6400xf32, #tpu.memory_space<hbm>>) target_semaphore(%run_scoped3A : memref<!tpu.dma_semaphore, #tpu.memory_space<semaphore_mem>>)
        %dma_wait3A = tpu.memref_slice %arg4[%mul3A_55] : memref<1638400xf32, #tpu.memory_space<hbm>> -> memref<6400xf32, #tpu.memory_space<hbm>>
        %dma_wait3A_58 = tpu.memref_slice %arg4[%mul3A_55] : memref<1638400xf32, #tpu.memory_space<hbm>> -> memref<6400xf32, #tpu.memory_space<hbm>>
        tpu.wait_dma2 semaphore(%run_scoped3A : memref<!tpu.dma_semaphore, #tpu.memory_space<semaphore_mem>>) src(%arg10 : memref<6400xf32, #tpu.memory_space<vmem>>) dst(%dma_wait3A_58 : memref<6400xf32, #tpu.memory_space<hbm>>)
        tpu.yield
      }) : () -> ()
      %scan3A_56 = arith.constant 0 : i32
      scf.yield %scan3A_56 : i32
    }
    %scan3A_35 = arith.constant 8 : i32
    %mul3A_36 = arith.constant 3 : i32
    %mul3A_37 = arith.muli %add3A, %mul3A_36 : i32
    %mul3A_38 = arith.constant 1024 : i32
    %mul3A_39 = arith.muli %mul3A_37, %mul3A_38 : i32
    "tpu.region"() ({
      %run_scoped3A = tpu.sem_alloc : memref<!tpu.dma_semaphore, #tpu.memory_space<semaphore_mem>>
      %dma_start3A = tpu.memref_slice %arg5[%mul3A_39] : memref<98304xf32, #tpu.memory_space<hbm>> -> memref<3072xf32, #tpu.memory_space<hbm>>
      %dma_start3A_40 = tpu.memref_slice %arg5[%mul3A_39] : memref<98304xf32, #tpu.memory_space<hbm>> -> memref<3072xf32, #tpu.memory_space<hbm>>
      tpu.enqueue_dma source(%arg11 : memref<3072xf32, #tpu.memory_space<vmem>>) target(%dma_start3A_40 : memref<3072xf32, #tpu.memory_space<hbm>>) target_semaphore(%run_scoped3A : memref<!tpu.dma_semaphore, #tpu.memory_space<semaphore_mem>>)
      %dma_wait3A = tpu.memref_slice %arg5[%mul3A_39] : memref<98304xf32, #tpu.memory_space<hbm>> -> memref<3072xf32, #tpu.memory_space<hbm>>
      %dma_wait3A_41 = tpu.memref_slice %arg5[%mul3A_39] : memref<98304xf32, #tpu.memory_space<hbm>> -> memref<3072xf32, #tpu.memory_space<hbm>>
      tpu.wait_dma2 semaphore(%run_scoped3A : memref<!tpu.dma_semaphore, #tpu.memory_space<semaphore_mem>>) src(%arg11 : memref<3072xf32, #tpu.memory_space<vmem>>) dst(%dma_wait3A_41 : memref<3072xf32, #tpu.memory_space<hbm>>)
      tpu.yield
    }) : () -> ()
    return
  }
}

module attributes {stable_mosaic.version = 14 : i64} {
  func.func @_mlp_body(%arg0: memref<1000x300xf32, #tpu.memory_space<vmem>>, %arg1: memref<300x100xf32, #tpu.memory_space<vmem>>, %arg2: memref<1x100xf32, #tpu.memory_space<vmem>>, %arg3: memref<100x50xf32, #tpu.memory_space<vmem>>, %arg4: memref<1x50xf32, #tpu.memory_space<vmem>>, %arg5: memref<1000x50xf32, #tpu.memory_space<vmem>>) attributes {dimension_semantics = [], scalar_prefetch = 0 : i64, scratch_operands = 0 : i64, tpu.core_type = #tpu.core_type<tc>} {
    %get3A = arith.constant 0 : index
    %get3A_0 = arith.constant 0 : index
    %get3A_1 = vector.load %arg0[%get3A, %get3A_0] : memref<1000x300xf32, #tpu.memory_space<vmem>>, vector<1000x300xf32>
    %get3A_2 = arith.constant 0 : index
    %get3A_3 = arith.constant 0 : index
    %get3A_4 = vector.load %arg1[%get3A_2, %get3A_3] : memref<300x100xf32, #tpu.memory_space<vmem>>, vector<300x100xf32>
    %dot_general3A = arith.constant dense<0.000000e+00> : vector<1000x100xf32>
    %dot_general3A_5 = tpu.matmul %get3A_1, %get3A_4, %dot_general3A {dimension_numbers = #tpu.dot_dimension_numbers<[1], [0], [0], [1], [0, 0, 1, 1], [], []>, precision = #tpu.contract_precision<fp32>, transpose_lhs_hint = false} : vector<1000x300xf32>, vector<300x100xf32>, vector<1000x100xf32> -> vector<1000x100xf32>
    %get3A_6 = arith.constant 0 : index
    %get3A_7 = arith.constant 0 : index
    %get3A_8 = vector.load %arg2[%get3A_6, %get3A_7] : memref<1x100xf32, #tpu.memory_space<vmem>>, vector<1x100xf32>
    %add3A = vector.broadcast %get3A_8 : vector<1x100xf32> to vector<1000x100xf32>
    %add3A_9 = arith.addf %dot_general3A_5, %add3A : vector<1000x100xf32>
    %max3A = arith.constant 0.000000e+00 : f32
    %max3A_10 = vector.broadcast %max3A : f32 to vector<1000x100xf32>
    %max3A_11 = arith.maximumf %add3A_9, %max3A_10 : vector<1000x100xf32>
    %get3A_12 = arith.constant 0 : index
    %get3A_13 = arith.constant 0 : index
    %get3A_14 = vector.load %arg3[%get3A_12, %get3A_13] : memref<100x50xf32, #tpu.memory_space<vmem>>, vector<100x50xf32>
    %dot_general3A_15 = arith.constant dense<0.000000e+00> : vector<1000x50xf32>
    %dot_general3A_16 = tpu.matmul %max3A_11, %get3A_14, %dot_general3A_15 {dimension_numbers = #tpu.dot_dimension_numbers<[1], [0], [0], [1], [0, 0, 1, 1], [], []>, precision = #tpu.contract_precision<fp32>, transpose_lhs_hint = false} : vector<1000x100xf32>, vector<100x50xf32>, vector<1000x50xf32> -> vector<1000x50xf32>
    %get3A_17 = arith.constant 0 : index
    %get3A_18 = arith.constant 0 : index
    %get3A_19 = vector.load %arg4[%get3A_17, %get3A_18] : memref<1x50xf32, #tpu.memory_space<vmem>>, vector<1x50xf32>
    %add3A_20 = vector.broadcast %get3A_19 : vector<1x50xf32> to vector<1000x50xf32>
    %add3A_21 = arith.addf %dot_general3A_16, %add3A_20 : vector<1000x50xf32>
    %swap3A = arith.constant 0 : index
    %swap3A_22 = arith.constant 0 : index
    %swap3A_23 = vector.load %arg5[%swap3A, %swap3A_22] : memref<1000x50xf32, #tpu.memory_space<vmem>>, vector<1000x50xf32>
    tpu.vector_store %arg5[%swap3A, %swap3A_22], %add3A_21 {strides = array<i32>} : memref<1000x50xf32, #tpu.memory_space<vmem>>, vector<1000x50xf32>,
    return
  }
}

module attributes {stable_mosaic.version = 14 : i64} {
  func.func @_fin_body(%arg0: i32, %arg1: memref<32x8x800xf32, #tpu.memory_space<vmem>>, %arg2: memref<32x3x1024xf32, #tpu.memory_space<vmem>>, %arg3: memref<1000x50xf32, #tpu.memory_space<vmem>>, %arg4: memref<1x1xf32, #tpu.memory_space<vmem>>) attributes {dimension_semantics = [#tpu.dimension_semantics<arbitrary>], iteration_bounds = array<i64: 8>, scalar_prefetch = 0 : i64, scratch_operands = 0 : i64, tpu.core_type = #tpu.core_type<tc>, window_params = [{transform_indices = @transform_0, window_bounds = array<i64: 32, 8, 800>}, {pipeline_mode = #tpu.pipeline_mode<synchronous>, transform_indices = @transform_1, window_bounds = array<i64: 32, 3, 1024>}, {pipeline_mode = #tpu.pipeline_mode<synchronous>, transform_indices = @transform_2, window_bounds = array<i64: 1000, 50>}, {pipeline_mode = #tpu.pipeline_mode<synchronous>, transform_indices = @transform_3, window_bounds = array<i64: 1, 1>}]} {
    %eq3A = arith.constant 0 : i32
    %eq3A_0 = arith.cmpi eq, %arg0, %eq3A : i32
    %convert_element_type3A = arith.extui %eq3A_0 : i1 to i32
    %cond3A = arith.constant 0 : i32
    %cond3A_1 = arith.cmpi ne, %convert_element_type3A, %cond3A : i32
    scf.if %cond3A_1 {
      %broadcast_in_dim3A_191 = arith.constant 0.000000e+00 : f32
      %broadcast_in_dim3A_192 = vector.broadcast %broadcast_in_dim3A_191 : f32 to vector<1x1xf32>
      %swap3A_193 = arith.constant 0 : index
      %swap3A_194 = arith.constant 0 : index
      %swap3A_195 = vector.load %arg4[%swap3A_193, %swap3A_194] : memref<1x1xf32, #tpu.memory_space<vmem>>, vector<1x1xf32>
      tpu.vector_store %arg4[%swap3A_193, %swap3A_194], %broadcast_in_dim3A_192 {strides = array<i32>} : memref<1x1xf32, #tpu.memory_space<vmem>>, vector<1x1xf32>,
    } else {
    }
    %get3A = arith.constant 0 : index
    %get3A_2 = arith.constant 0 : index
    %get3A_3 = arith.constant 0 : index
    %get3A_4 = vector.load %arg2[%get3A, %get3A_2, %get3A_3] : memref<32x3x1024xf32, #tpu.memory_space<vmem>>, vector<32x3x1024xf32>
    %reduce_max3A = arith.constant dense<0xFF800000> : vector<3x1024xf32>
    %reduce_max3A_5 = vector.multi_reduction <maximumf>, %get3A_4, %reduce_max3A [0] : vector<32x3x1024xf32> to vector<3x1024xf32>
    %get3A_6 = arith.constant 0 : index
    %get3A_7 = arith.constant 0 : index
    %get3A_8 = vector.load %arg3[%get3A_6, %get3A_7] : memref<1000x50xf32, #tpu.memory_space<vmem>>, vector<1000x50xf32>
    %reduce_min3A = arith.constant dense<0x7F800000> : vector<1000xf32>
    %reduce_min3A_9 = vector.multi_reduction <minimumf>, %get3A_8, %reduce_min3A [1] : vector<1000x50xf32> to vector<1000xf32>
    %reduce_max3A_10 = arith.constant dense<0xFF800000> : vector<1000xf32>
    %reduce_max3A_11 = vector.multi_reduction <maximumf>, %get3A_8, %reduce_max3A_10 [1] : vector<1000x50xf32> to vector<1000xf32>
    %slice3A = vector.extract_strided_slice %reduce_max3A_5 {offsets = [0, 0], sizes = [1, 1000], strides = [1, 1]} : vector<3x1024xf32> to vector<1x1000xf32>
    %squeeze3A = vector.shape_cast %slice3A : vector<1x1000xf32> to vector<1000xf32>
    %gt3A = arith.constant 5.000000e-01 : f32
    %gt3A_12 = vector.broadcast %gt3A : f32 to vector<1000xf32>
    %gt3A_13 = arith.cmpf ogt, %squeeze3A, %gt3A_12 : vector<1000xf32>
    %jit3A = arith.constant 0x7F800000 : f32
    %broadcast_in_dim3A = vector.broadcast %jit3A : f32 to vector<1000xf32>
    %select_n3A = arith.select %gt3A_13, %reduce_min3A_9, %broadcast_in_dim3A : vector<1000xi1>, vector<1000xf32>
    %reduce_min3A_14 = vector.shape_cast %select_n3A : vector<1000xf32> to vector<1x1000xf32>
    %reduce_min3A_15 = arith.constant dense<0x7F800000> : vector<1xf32>
    %reduce_min3A_16 = vector.multi_reduction <minimumf>, %reduce_min3A_14, %reduce_min3A_15 [1] : vector<1x1000xf32> to vector<1xf32>
    %reduce_min3A_17 = vector.shape_cast %reduce_min3A_16 : vector<1xf32> to vector<1x1xf32>
    %reduce_min3A_18 = vector.extract %reduce_min3A_17[0, 0] : f32 from vector<1x1xf32>
    %neg3A = arith.constant 0.000000e+00 : f32
    %neg3A_19 = arith.constant 0x7F800000 : f32
    %neg3A_20 = arith.subf %neg3A, %neg3A_19 : f32
    %broadcast_in_dim3A_21 = vector.broadcast %neg3A_20 : f32 to vector<1000xf32>
    %select_n3A_22 = arith.select %gt3A_13, %reduce_max3A_11, %broadcast_in_dim3A_21 : vector<1000xi1>, vector<1000xf32>
    %reduce_max3A_23 = vector.shape_cast %select_n3A_22 : vector<1000xf32> to vector<1x1000xf32>
    %reduce_max3A_24 = arith.constant dense<0xFF800000> : vector<1xf32>
    %reduce_max3A_25 = vector.multi_reduction <maximumf>, %reduce_max3A_23, %reduce_max3A_24 [1] : vector<1x1000xf32> to vector<1xf32>
    %reduce_max3A_26 = vector.shape_cast %reduce_max3A_25 : vector<1xf32> to vector<1x1xf32>
    %reduce_max3A_27 = vector.extract %reduce_max3A_26[0, 0] : f32 from vector<1x1xf32>
    %sub3A = arith.subf %reduce_max3A_27, %reduce_min3A_18 : f32
    %slice3A_28 = vector.extract_strided_slice %reduce_max3A_5 {offsets = [1, 0], sizes = [1, 1000], strides = [1, 1]} : vector<3x1024xf32> to vector<1x1000xf32>
    %squeeze3A_29 = vector.shape_cast %slice3A_28 : vector<1x1000xf32> to vector<1000xf32>
    %gt3A_30 = arith.constant 5.000000e-01 : f32
    %gt3A_31 = vector.broadcast %gt3A_30 : f32 to vector<1000xf32>
    %gt3A_32 = arith.cmpf ogt, %squeeze3A_29, %gt3A_31 : vector<1000xf32>
    %jit3A_33 = arith.constant 0x7F800000 : f32
    %broadcast_in_dim3A_34 = vector.broadcast %jit3A_33 : f32 to vector<1000xf32>
    %select_n3A_35 = arith.select %gt3A_32, %reduce_min3A_9, %broadcast_in_dim3A_34 : vector<1000xi1>, vector<1000xf32>
    %reduce_min3A_36 = vector.shape_cast %select_n3A_35 : vector<1000xf32> to vector<1x1000xf32>
    %reduce_min3A_37 = arith.constant dense<0x7F800000> : vector<1xf32>
    %reduce_min3A_38 = vector.multi_reduction <minimumf>, %reduce_min3A_36, %reduce_min3A_37 [1] : vector<1x1000xf32> to vector<1xf32>
    %reduce_min3A_39 = vector.shape_cast %reduce_min3A_38 : vector<1xf32> to vector<1x1xf32>
    %reduce_min3A_40 = vector.extract %reduce_min3A_39[0, 0] : f32 from vector<1x1xf32>
    %neg3A_41 = arith.constant 0.000000e+00 : f32
    %neg3A_42 = arith.constant 0x7F800000 : f32
    %neg3A_43 = arith.subf %neg3A_41, %neg3A_42 : f32
    %broadcast_in_dim3A_44 = vector.broadcast %neg3A_43 : f32 to vector<1000xf32>
    %select_n3A_45 = arith.select %gt3A_32, %reduce_max3A_11, %broadcast_in_dim3A_44 : vector<1000xi1>, vector<1000xf32>
    %reduce_max3A_46 = vector.shape_cast %select_n3A_45 : vector<1000xf32> to vector<1x1000xf32>
    %reduce_max3A_47 = arith.constant dense<0xFF800000> : vector<1xf32>
    %reduce_max3A_48 = vector.multi_reduction <maximumf>, %reduce_max3A_46, %reduce_max3A_47 [1] : vector<1x1000xf32> to vector<1xf32>
    %reduce_max3A_49 = vector.shape_cast %reduce_max3A_48 : vector<1xf32> to vector<1x1xf32>
    %reduce_max3A_50 = vector.extract %reduce_max3A_49[0, 0] : f32 from vector<1x1xf32>
    %sub3A_51 = arith.subf %reduce_max3A_50, %reduce_min3A_40 : f32
    %slice3A_52 = vector.extract_strided_slice %reduce_max3A_5 {offsets = [2, 0], sizes = [1, 1000], strides = [1, 1]} : vector<3x1024xf32> to vector<1x1000xf32>
    %squeeze3A_53 = vector.shape_cast %slice3A_52 : vector<1x1000xf32> to vector<1000xf32>
    %gt3A_54 = arith.constant 5.000000e-01 : f32
    %gt3A_55 = vector.broadcast %gt3A_54 : f32 to vector<1000xf32>
    %gt3A_56 = arith.cmpf ogt, %squeeze3A_53, %gt3A_55 : vector<1000xf32>
    %jit3A_57 = arith.constant 0x7F800000 : f32
    %broadcast_in_dim3A_58 = vector.broadcast %jit3A_57 : f32 to vector<1000xf32>
    %select_n3A_59 = arith.select %gt3A_56, %reduce_min3A_9, %broadcast_in_dim3A_58 : vector<1000xi1>, vector<1000xf32>
    %reduce_min3A_60 = vector.shape_cast %select_n3A_59 : vector<1000xf32> to vector<1x1000xf32>
    %reduce_min3A_61 = arith.constant dense<0x7F800000> : vector<1xf32>
    %reduce_min3A_62 = vector.multi_reduction <minimumf>, %reduce_min3A_60, %reduce_min3A_61 [1] : vector<1x1000xf32> to vector<1xf32>
    %reduce_min3A_63 = vector.shape_cast %reduce_min3A_62 : vector<1xf32> to vector<1x1xf32>
    %reduce_min3A_64 = vector.extract %reduce_min3A_63[0, 0] : f32 from vector<1x1xf32>
    %neg3A_65 = arith.constant 0.000000e+00 : f32
    %neg3A_66 = arith.constant 0x7F800000 : f32
    %neg3A_67 = arith.subf %neg3A_65, %neg3A_66 : f32
    %broadcast_in_dim3A_68 = vector.broadcast %neg3A_67 : f32 to vector<1000xf32>
    %select_n3A_69 = arith.select %gt3A_56, %reduce_max3A_11, %broadcast_in_dim3A_68 : vector<1000xi1>, vector<1000xf32>
    %reduce_max3A_70 = vector.shape_cast %select_n3A_69 : vector<1000xf32> to vector<1x1000xf32>
    %reduce_max3A_71 = arith.constant dense<0xFF800000> : vector<1xf32>
    %reduce_max3A_72 = vector.multi_reduction <maximumf>, %reduce_max3A_70, %reduce_max3A_71 [1] : vector<1x1000xf32> to vector<1xf32>
    %reduce_max3A_73 = vector.shape_cast %reduce_max3A_72 : vector<1xf32> to vector<1x1xf32>
    %reduce_max3A_74 = vector.extract %reduce_max3A_73[0, 0] : f32 from vector<1x1xf32>
    %sub3A_75 = arith.subf %reduce_max3A_74, %reduce_min3A_64 : f32
    %get3A_76 = arith.constant 0 : index
    %get3A_77 = arith.constant 0 : index
    %get3A_78 = arith.constant 0 : index
    %get3A_79 = vector.load %arg1[%get3A_76, %get3A_77, %get3A_78] : memref<32x8x800xf32, #tpu.memory_space<vmem>>, vector<32x8x800xf32>
    %slice3A_80 = vector.extract_strided_slice %get3A_79 {offsets = [0, 0, 0], sizes = [32, 1, 800], strides = [1, 1, 1]} : vector<32x8x800xf32> to vector<32x1x800xf32>
    %squeeze3A_81 = vector.shape_cast %slice3A_80 : vector<32x1x800xf32> to vector<32x800xf32>
    %slice3A_82 = vector.extract_strided_slice %get3A_79 {offsets = [0, 1, 0], sizes = [32, 1, 800], strides = [1, 1, 1]} : vector<32x8x800xf32> to vector<32x1x800xf32>
    %squeeze3A_83 = vector.shape_cast %slice3A_82 : vector<32x1x800xf32> to vector<32x800xf32>
    %slice3A_84 = vector.extract_strided_slice %get3A_79 {offsets = [0, 2, 0], sizes = [32, 1, 800], strides = [1, 1, 1]} : vector<32x8x800xf32> to vector<32x1x800xf32>
    %squeeze3A_85 = vector.shape_cast %slice3A_84 : vector<32x1x800xf32> to vector<32x800xf32>
    %slice3A_86 = vector.extract_strided_slice %get3A_79 {offsets = [0, 3, 0], sizes = [32, 1, 800], strides = [1, 1, 1]} : vector<32x8x800xf32> to vector<32x1x800xf32>
    %squeeze3A_87 = vector.shape_cast %slice3A_86 : vector<32x1x800xf32> to vector<32x800xf32>
    %slice3A_88 = vector.extract_strided_slice %get3A_79 {offsets = [0, 4, 0], sizes = [32, 1, 800], strides = [1, 1, 1]} : vector<32x8x800xf32> to vector<32x1x800xf32>
    %squeeze3A_89 = vector.shape_cast %slice3A_88 : vector<32x1x800xf32> to vector<32x800xf32>
    %slice3A_90 = vector.extract_strided_slice %get3A_79 {offsets = [0, 5, 0], sizes = [32, 1, 800], strides = [1, 1, 1]} : vector<32x8x800xf32> to vector<32x1x800xf32>
    %squeeze3A_91 = vector.shape_cast %slice3A_90 : vector<32x1x800xf32> to vector<32x800xf32>
    %slice3A_92 = vector.extract_strided_slice %get3A_79 {offsets = [0, 6, 0], sizes = [32, 1, 800], strides = [1, 1, 1]} : vector<32x8x800xf32> to vector<32x1x800xf32>
    %squeeze3A_93 = vector.shape_cast %slice3A_92 : vector<32x1x800xf32> to vector<32x800xf32>
    %slice3A_94 = vector.extract_strided_slice %get3A_79 {offsets = [0, 7, 0], sizes = [32, 1, 800], strides = [1, 1, 1]} : vector<32x8x800xf32> to vector<32x1x800xf32>
    %squeeze3A_95 = vector.shape_cast %slice3A_94 : vector<32x1x800xf32> to vector<32x800xf32>
    %mul3A = vector.broadcast %reduce_min3A_40 : f32 to vector<32x800xf32>
    %mul3A_96 = arith.mulf %mul3A, %squeeze3A_81 : vector<32x800xf32>
    %sub3A_97 = arith.subf %squeeze3A_93, %mul3A_96 : vector<32x800xf32>
    %mul3A_98 = vector.broadcast %reduce_min3A_18 : f32 to vector<32x800xf32>
    %mul3A_99 = arith.mulf %mul3A_98, %squeeze3A_83 : vector<32x800xf32>
    %sub3A_100 = arith.subf %sub3A_97, %mul3A_99 : vector<32x800xf32>
    %mul3A_101 = arith.constant 5.000000e+01 : f32
    %mul3A_102 = arith.mulf %mul3A_101, %reduce_min3A_18 : f32
    %mul3A_103 = arith.mulf %mul3A_102, %reduce_min3A_40 : f32
    %add3A = vector.broadcast %mul3A_103 : f32 to vector<32x800xf32>
    %add3A_104 = arith.addf %sub3A_100, %add3A : vector<32x800xf32>
    %mul3A_105 = arith.mulf %sub3A, %sub3A_51 : f32
    %div3A = vector.broadcast %mul3A_105 : f32 to vector<32x800xf32>
    %div3A_106 = arith.divf %add3A_104, %div3A : vector<32x800xf32>
    %mul3A_107 = vector.broadcast %reduce_min3A_64 : f32 to vector<32x800xf32>
    %mul3A_108 = arith.mulf %mul3A_107, %squeeze3A_81 : vector<32x800xf32>
    %sub3A_109 = arith.subf %squeeze3A_95, %mul3A_108 : vector<32x800xf32>
    %mul3A_110 = vector.broadcast %reduce_min3A_18 : f32 to vector<32x800xf32>
    %mul3A_111 = arith.mulf %mul3A_110, %squeeze3A_85 : vector<32x800xf32>
    %sub3A_112 = arith.subf %sub3A_109, %mul3A_111 : vector<32x800xf32>
    %mul3A_113 = arith.constant 5.000000e+01 : f32
    %mul3A_114 = arith.mulf %mul3A_113, %reduce_min3A_18 : f32
    %mul3A_115 = arith.mulf %mul3A_114, %reduce_min3A_64 : f32
    %add3A_116 = vector.broadcast %mul3A_115 : f32 to vector<32x800xf32>
    %add3A_117 = arith.addf %sub3A_112, %add3A_116 : vector<32x800xf32>
    %mul3A_118 = arith.mulf %sub3A, %sub3A_75 : f32
    %div3A_119 = vector.broadcast %mul3A_118 : f32 to vector<32x800xf32>
    %div3A_120 = arith.divf %add3A_117, %div3A_119 : vector<32x800xf32>
    %mul3A_121 = arith.constant 2.000000e+00 : f32
    %mul3A_122 = arith.mulf %mul3A_121, %reduce_min3A_18 : f32
    %mul3A_123 = vector.broadcast %mul3A_122 : f32 to vector<32x800xf32>
    %mul3A_124 = arith.mulf %mul3A_123, %squeeze3A_81 : vector<32x800xf32>
    %sub3A_125 = arith.subf %squeeze3A_87, %mul3A_124 : vector<32x800xf32>
    %mul3A_126 = arith.constant 5.000000e+01 : f32
    %mul3A_127 = arith.mulf %mul3A_126, %reduce_min3A_18 : f32
    %mul3A_128 = arith.mulf %mul3A_127, %reduce_min3A_18 : f32
    %add3A_129 = vector.broadcast %mul3A_128 : f32 to vector<32x800xf32>
    %add3A_130 = arith.addf %sub3A_125, %add3A_129 : vector<32x800xf32>
    %mul3A_131 = arith.mulf %sub3A, %sub3A : f32
    %div3A_132 = vector.broadcast %mul3A_131 : f32 to vector<32x800xf32>
    %div3A_133 = arith.divf %add3A_130, %div3A_132 : vector<32x800xf32>
    %mul3A_134 = arith.constant 2.000000e+00 : f32
    %mul3A_135 = arith.mulf %mul3A_134, %reduce_min3A_40 : f32
    %mul3A_136 = vector.broadcast %mul3A_135 : f32 to vector<32x800xf32>
    %mul3A_137 = arith.mulf %mul3A_136, %squeeze3A_83 : vector<32x800xf32>
    %sub3A_138 = arith.subf %squeeze3A_89, %mul3A_137 : vector<32x800xf32>
    %mul3A_139 = arith.constant 5.000000e+01 : f32
    %mul3A_140 = arith.mulf %mul3A_139, %reduce_min3A_40 : f32
    %mul3A_141 = arith.mulf %mul3A_140, %reduce_min3A_40 : f32
    %add3A_142 = vector.broadcast %mul3A_141 : f32 to vector<32x800xf32>
    %add3A_143 = arith.addf %sub3A_138, %add3A_142 : vector<32x800xf32>
    %mul3A_144 = arith.mulf %sub3A_51, %sub3A_51 : f32
    %div3A_145 = vector.broadcast %mul3A_144 : f32 to vector<32x800xf32>
    %div3A_146 = arith.divf %add3A_143, %div3A_145 : vector<32x800xf32>
    %mul3A_147 = arith.constant 2.000000e+00 : f32
    %mul3A_148 = arith.mulf %mul3A_147, %reduce_min3A_64 : f32
    %mul3A_149 = vector.broadcast %mul3A_148 : f32 to vector<32x800xf32>
    %mul3A_150 = arith.mulf %mul3A_149, %squeeze3A_85 : vector<32x800xf32>
    %sub3A_151 = arith.subf %squeeze3A_91, %mul3A_150 : vector<32x800xf32>
    %mul3A_152 = arith.constant 5.000000e+01 : f32
    %mul3A_153 = arith.mulf %mul3A_152, %reduce_min3A_64 : f32
    %mul3A_154 = arith.mulf %mul3A_153, %reduce_min3A_64 : f32
    %add3A_155 = vector.broadcast %mul3A_154 : f32 to vector<32x800xf32>
    %add3A_156 = arith.addf %sub3A_151, %add3A_155 : vector<32x800xf32>
    %mul3A_157 = arith.mulf %sub3A_75, %sub3A_75 : f32
    %div3A_158 = vector.broadcast %mul3A_157 : f32 to vector<32x800xf32>
    %div3A_159 = arith.divf %add3A_156, %div3A_158 : vector<32x800xf32>
    %sqrt3A = math.sqrt %div3A_133 : vector<32x800xf32>
    %max3A = arith.constant 9.99999993E-9 : f32
    %max3A_160 = vector.broadcast %max3A : f32 to vector<32x800xf32>
    %max3A_161 = arith.maximumf %sqrt3A, %max3A_160 : vector<32x800xf32>
    %sqrt3A_162 = math.sqrt %div3A_146 : vector<32x800xf32>
    %max3A_163 = arith.constant 9.99999993E-9 : f32
    %max3A_164 = vector.broadcast %max3A_163 : f32 to vector<32x800xf32>
    %max3A_165 = arith.maximumf %sqrt3A_162, %max3A_164 : vector<32x800xf32>
    %sqrt3A_166 = math.sqrt %div3A_159 : vector<32x800xf32>
    %max3A_167 = arith.constant 9.99999993E-9 : f32
    %max3A_168 = vector.broadcast %max3A_167 : f32 to vector<32x800xf32>
    %max3A_169 = arith.maximumf %sqrt3A_166, %max3A_168 : vector<32x800xf32>
    %mul3A_170 = arith.mulf %max3A_161, %max3A_165 : vector<32x800xf32>
    %div3A_171 = arith.divf %div3A_106, %mul3A_170 : vector<32x800xf32>
    %mul3A_172 = arith.mulf %max3A_161, %max3A_169 : vector<32x800xf32>
    %div3A_173 = arith.divf %div3A_120, %mul3A_172 : vector<32x800xf32>
    %sub3A_174 = arith.subf %div3A_171, %div3A_173 : vector<32x800xf32>
    %add3A_175 = arith.constant 5.000000e-01 : f32
    %add3A_176 = vector.broadcast %add3A_175 : f32 to vector<32x800xf32>
    %add3A_177 = arith.addf %sub3A_174, %add3A_176 : vector<32x800xf32>
    %max3A_178 = arith.constant 0.000000e+00 : f32
    %max3A_179 = vector.broadcast %max3A_178 : f32 to vector<32x800xf32>
    %max3A_180 = arith.maximumf %add3A_177, %max3A_179 : vector<32x800xf32>
    %get3A_181 = arith.constant 0 : index
    %get3A_182 = arith.constant 0 : index
    %get3A_183 = vector.load %arg4[%get3A_181, %get3A_182] : memref<1x1xf32, #tpu.memory_space<vmem>>, vector<1x1xf32>
    %reduce_sum3A = vector.shape_cast %max3A_180 : vector<32x800xf32> to vector<1x32x800xf32>
    %reduce_sum3A_184 = arith.constant dense<0.000000e+00> : vector<1xf32>
    %reduce_sum3A_185 = vector.multi_reduction <add>, %reduce_sum3A, %reduce_sum3A_184 [1, 2] : vector<1x32x800xf32> to vector<1xf32>
    %reduce_sum3A_186 = vector.shape_cast %reduce_sum3A_185 : vector<1xf32> to vector<1x1x1xf32>
    %reduce_sum3A_187 = vector.extract %reduce_sum3A_186[0, 0, 0] : f32 from vector<1x1x1xf32>
    %reshape3A = vector.broadcast %reduce_sum3A_187 : f32 to vector<1x1xf32>
    %add3A_188 = arith.addf %get3A_183, %reshape3A : vector<1x1xf32>
    %swap3A = arith.constant 0 : index
    %swap3A_189 = arith.constant 0 : index
    %swap3A_190 = vector.load %arg4[%swap3A, %swap3A_189] : memref<1x1xf32, #tpu.memory_space<vmem>>, vector<1x1xf32>
    tpu.vector_store %arg4[%swap3A, %swap3A_189], %add3A_188 {strides = array<i32>} : memref<1x1xf32, #tpu.memory_space<vmem>>, vector<1x1xf32>,
    return
  }
  func.func @transform_0(%arg0: i32) -> (i32, i32, i32) {
    %c0_i32 = arith.constant 0 : i32
    %c0_i32_0 = arith.constant 0 : i32
    %c0_i32_1 = arith.constant 0 : i32
    return %arg0, %c0_i32, %c0_i32_0 : i32, i32, i32
  }
  func.func @transform_1(%arg0: i32) -> (i32, i32, i32) {
    %c0_i32 = arith.constant 0 : i32
    %c0_i32_0 = arith.constant 0 : i32
    %c0_i32_1 = arith.constant 0 : i32
    %c0_i32_2 = arith.constant 0 : i32
    return %c0_i32, %c0_i32_0, %c0_i32_1 : i32, i32, i32
  }
  func.func @transform_2(%arg0: i32) -> (i32, i32) {
    %c0_i32 = arith.constant 0 : i32
    %c0_i32_0 = arith.constant 0 : i32
    %c0_i32_1 = arith.constant 0 : i32
    return %c0_i32, %c0_i32_0 : i32, i32
  }
  func.func @transform_3(%arg0: i32) -> (i32, i32) {
    %c0_i32 = arith.constant 0 : i32
    %c0_i32_0 = arith.constant 0 : i32
    %c0_i32_1 = arith.constant 0 : i32
    return %c0_i32, %c0_i32_0 : i32, i32
  }
}

</mosaic_0001>

<sc_bundles>
// kernel: kernel.5.cloned.1.call-start
scs
__scs_entry_jumppad:
0x0: {  	(pc) =	sbr.rel $0x88, $3  }
0x1: {  	(tag) =	ssettag $0x0;
	lr =	simm.s32 $0x1  }
0x2: {  	[smem:$0x3F99] =	sst lr;
	_ =	strace $0xD0000000  }
0x3: {  	_ = 	snop  }
0x4: {  	_ = 	snop  }
0x5: {  	_ = 	snop  }
0x6: {  	_ = 	snop  }
0x7: {  	_ = 	snop  }
__scs_overlays_trampoline_lowered:
0x8: {  	[smem:$0x3FA8] =	sst s0  }
0x9: {  	[smem:$0x3FA9] =	sst s1  }
0xa: {  	[smem:$0x3FAA] =	sst s2  }
0xb: {  	[smem:$0x3FAB] =	sst s3  }
0xc: {  	[smem:$0x3FAC] =	sst s4  }
0xd: {  	[smem:$0x3FAD] =	sst s5  }
0xe: {  	[smem:$0x3FAE] =	sst s6  }
0xf: {  	[smem:$0x3FAF] =	sst s7  }
0x10: {  	[smem:$0x3FB0] =	sst s8  }
0x11: {  	[smem:$0x3FB1] =	sst s9;
	s0 =	simm.s32 @!p0 $0x0  }
0x12: {  	s1 =	sld [smem:$0x3F97];
	s0 =	simm.s32 @p0 $0x1  }
0x13: {  	[smem:$0x3FB2] =	sst s0;
	s0 =	simm.s32 @!p1 $0x0  }
0x14: {  	s2 =	sld [smem:$0x3F96];
	s0 =	simm.s32 @p1 $0x1  }
0x15: {  	[smem:$0x3FB3] =	sst s0;
	s0 =	simm.s32 @!p2 $0x0  }
0x16: {  	s3 =	sld [smem:$0x3FDB];
	s0 =	simm.s32 @p2 $0x1  }
0x17: {  	s4 =	simm.s32 $0x1BF5;
	[smem:$0x3FB5] =	sst s0  }
0x18: {  	s0 =	sld [smem:$0x3F98];
	_ =	swait.ge [sflag:s4], $0x0  }
0x19: {  	s7 =	sld [smem:$0x3F99]  }
0x1a: {  	s8 =	sadd.s32 $0xFFFFE003, lr  }
0x1b: {  	s9 =	sadd.s32 $0xFFFFFEF7, lr;
	s5 =	simm.s32 $0xFFFFFFFF;
	p2 =	slt.u32 s8, $0xFFFFF086  }
0x1c: {  	p1 =	slt.u32 s9, $0xF7A;
	s5 =	simm.s32 @!p2 $0x0  }
0x1d: {  	s5 =	simm.s32 @p1 $0x1;
	p0 =	seq.s32 s7, s2  }
0x1e: {  	s7 =	smul.u32 @!p0 $0xF7A, s2;
	p2 =	seq.s32 @!p0 s5, $0x0  }
0x1f: {  	s9 =	smul.u32 $0xF7A, s1;
	s8 =	simm.s32 @!p0 $0x1BF5;
	p2 =	por !p2, p0  }
0x20: {  	[sflag:s8] =	ssyncset.s32 @!p0 $0xFFFFF086;
	s6 =	sadd.s32 @!p0 s3, s7;
	s7 =	simm.s32 @!p0 $0x108  }
0x21: {  	s3 =	sadd.s32 s3, s9;
	s6 =	sadd.s32 @!p0 $0x88, s6;
	s7 =	simm.s32 @p2 $0x1082  }
0x22: {  	[simem:s7], [sflag:s8] =	dma.local @!p0 [hbm:s6], $0xF7A  }
0x23: {  	s9 =	sor.u32 $0xD0000000, s2;
	s6 =	simm.s32 $0x108;
	_ =	swait.ge @!p0 [sflag:s8], $0x0  }
0x24: {  	s3 =	sadd.s32 $0x88, s3;
	s6 =	simm.s32 @!p1 $0x1082;
	[sflag:s4] =	ssyncset.s32 $0xFFFFF086  }
0x25: {  	[simem:s6], [sflag:s4] =	dma.local [hbm:s3], $0xF7A  }
0x26: {  	[smem:$0x3F99] =	sst s1;
	(tag) =	ssettag s2;
	_ =	strace s9  }
0x27: {  	s1 =	sld [smem:$0x3FA9]  }
0x28: {  	s2 =	sld [smem:$0x3FAA]  }
0x29: {  	s4 =	sld [smem:$0x3FAC]  }
0x2a: {  	p0 =	seq.s32 s5, $0x0;
	s5 =	sld [smem:$0x3FAD]  }
0x2b: {  	s6 =	sld [smem:$0x3FAE]  }
0x2c: {  	s7 =	sld [smem:$0x3FAF]  }
0x2d: {  	s3 =	simm.s32 $0x108;
	s8 =	sld [smem:$0x3FB0]  }
0x2e: {  	s3 =	simm.s32 @!p0 $0x1082;
	s9 =	sld [smem:$0x3FB1]  }
0x2f: {  	lr =	sadd.s32 s0, s3;
	s0 =	sld [smem:$0x3FA8]  }
0x30: {  	s3 =	sld [smem:$0x3FAB]  }
0x31: {  	[smem:$0x3FB4] =	sst s10  }
0x32: {  	s10 =	sld [smem:$0x3FB2];
	_ =	sdelay $0x3  }
0x33: {  	p0 =	seq.s32 s10, $0x1;
	s10 =	sld [smem:$0x3FB4];
	_ =	sdelay $0x3  }
0x34: {  	[smem:$0x3FB4] =	sst s10  }
0x35: {  	s10 =	sld [smem:$0x3FB3];
	_ =	sdelay $0x3  }
0x36: {  	p1 =	seq.s32 s10, $0x1;
	s10 =	sld [smem:$0x3FB4];
	_ =	sdelay $0x3  }
0x37: {  	[smem:$0x3FB4] =	sst s10  }
0x38: {  	s10 =	sld [smem:$0x3FB5]  }
0x39: {  	_ = 	snop;
	(pc) =	sbr.ind lr, $3  }
0x3a: {  	_ = 	snop  }
0x3b: {  	_ = 	snop  }
0x3c: {  	p2 =	seq.s32 s10, $0x1;
	s10 =	sld [smem:$0x3FB4]  }
0x3d: {  	_ =	shalt  }
0x3e: {  	_ =	shalt  }
0x3f: {  	_ =	shalt  }
0x40: {  	_ =	shalt  }
0x41: {  	_ =	shalt  }
0x42: {  	_ =	shalt  }
0x43: {  	_ =	shalt  }
0x44: {  	_ =	shalt  }
0x45: {  	_ =	shalt  }
0x46: {  	_ =	shalt  }
0x47: {  	_ =	shalt  }
0x48: {  	_ =	shalt  }
0x49: {  	_ =	shalt  }
0x4a: {  	_ =	shalt  }
0x4b: {  	_ =	shalt  }
0x4c: {  	_ =	shalt  }
0x4d: {  	_ =	shalt  }
0x4e: {  	_ =	shalt  }
0x4f: {  	_ =	shalt  }
0x50: {  	_ =	shalt  }
0x51: {  	_ =	shalt  }
0x52: {  	_ =	shalt  }
0x53: {  	_ =	shalt  }
0x54: {  	_ =	shalt  }
0x55: {  	_ =	shalt  }
0x56: {  	_ =	shalt  }
0x57: {  	_ =	shalt  }
0x58: {  	_ =	shalt  }
0x59: {  	_ =	shalt  }
0x5a: {  	_ =	shalt  }
0x5b: {  	_ =	shalt  }
0x5c: {  	_ =	shalt  }
0x5d: {  	_ =	shalt  }
0x5e: {  	_ =	shalt  }
0x5f: {  	_ =	shalt  }
0x60: {  	_ =	shalt  }
0x61: {  	_ =	shalt  }
0x62: {  	_ =	shalt  }
0x63: {  	_ =	shalt  }
0x64: {  	_ =	shalt  }
0x65: {  	_ =	shalt  }
0x66: {  	_ =	shalt  }
0x67: {  	_ =	shalt  }
0x68: {  	_ =	shalt  }
0x69: {  	_ =	shalt  }
0x6a: {  	_ =	shalt  }
0x6b: {  	_ =	shalt  }
0x6c: {  	_ =	shalt  }
0x6d: {  	_ =	shalt  }
0x6e: {  	_ =	shalt  }
0x6f: {  	_ =	shalt  }
0x70: {  	_ =	shalt  }
0x71: {  	_ =	shalt  }
0x72: {  	_ =	shalt  }
0x73: {  	_ =	shalt  }
0x74: {  	_ =	shalt  }
0x75: {  	_ =	shalt  }
0x76: {  	_ =	shalt  }
0x77: {  	_ =	shalt  }
0x78: {  	_ =	shalt  }
0x79: {  	_ =	shalt  }
0x7a: {  	_ =	shalt  }
0x7b: {  	_ =	shalt  }
0x7c: {  	_ =	shalt  }
0x7d: {  	_ =	shalt  }
0x7e: {  	_ =	shalt  }
0x7f: {  	_ =	shalt  }
0x80: {  	_ =	shalt  }
0x81: {  	_ =	shalt  }
0x82: {  	_ =	shalt  }
0x83: {  	_ =	shalt  }
0x84: {  	_ =	shalt  }
0x85: {  	_ =	shalt  }
0x86: {  	_ =	shalt  }
0x87: {  	_ =	shalt  }
.Lfunc_end0:
.L_simem_size_0:
called_computation_lowered:
.L_overlay_start_0:
0x88: {  	s2 =	sld [smem:$0x3FD9]  }
0x89: {  	s3 =	sld [smem:$0x3FFE];
	_ =	sdelay $0x1  }
0x8a: {  	s1 =	srdreg.scid  }
0x8b: {  	s0 =	sand.u32 $0x1, s1  }
0x8c: {  	s16 =	sshll.u32 s0, $0xA;
	s2 =	sadd.s32 s3, s2  }
0x8d: {  	s2 =	sadd.s32 s2, s16  }
0x8e: {  	[smem:$0x3FC0] =	sst s2  }
0x8f: {  	_ = 	snop  }
0x90: {  	(tm) =	ssettm $0x1  }
0x91: {  	s17 =	sld [smem:$0x3FFB];
	_ =	sdelay $0x3  }
0x92: {  	_ =	strace s17  }
0x93: {  	s2 =	sld [smem:$0x3FFC];
	_ =	sdelay $0x3  }
0x94: {  	_ =	strace s2  }
0x95: {  	s2 =	sld [smem:$0x3FFD];
	_ =	sdelay $0x3  }
0x96: {  	_ =	strace s2  }
0x97: {  	_ =	strace $0x8FFFFFFF  }
0x98: {  	s18 =	sld [smem:$0x3FDB];
	_ =	sdelay $0x1  }
0x99: {  	s19 =	simm.s32 $_scs_section_size  }
0x9a: {  	s4 =	simm.s32 $_size__tile_overlayer_lowered;
	s5 =	simm.s32 $_tile_overlayer_lowered  }
0x9b: {  	s22 =	simm.s32 $0x1BFF;
	s21 =	sshll.u32 s5, $0x1;
	s2 =	sadd.s32 s19, s18  }
0x9c: {  	s6 =	simm.s32 $0x0;
	s20 =	sshll.u32 s4, $0x1;
	s4 =	sadd.s32 s21, s2  }
0x9d: {  	[timem:s6], [sflag:s22] =	dma.local [hbm:s4], s20  }
0x9e: {  	_ =	swait.ge [sflag:s22], s20  }
0x9f: {  	s3 =	ssub.s32 $0x0, s20;
	[sflag:s22] =	ssyncset.done $0x0  }
0xa0: {  	[sflag:s22] =	ssyncadd.s32 s3;
	_ =	sdelay $0x1  }
0xa1: {  	s23 =	simm.s32 $0x1B8B  }
0xa2: {  	_ =	swait.ge [sflag:s23], $0x1  }
0xa3: {  	[sflag:s23] =	ssyncset.done $0x0  }
0xa4: {  	s25 =	simm.s32 $0x1B8E;
	s24 =	sld [smem:$0x3FFE];
	[sflag:s23] =	ssyncadd.s32 $0xFFFFFFFF  }
0xa5: {  	s26 =	simm.s32 $execute0_lowered;
	[smem:$0x3FD2] =	sst s25  }
0xa6: {  	s4 =	sshll.u32 s26, $0x1;
	_ =	strace $0x80000046;
	[dreg:$0x1] =	wrdreg $0xFFFFFFFF  }
0xa7: {  	s28 =	simm.s32 $_size_execute0_lowered;
	s2 =	sadd.s32 s2, s4;
	[dreg:$0x0] =	wrdreg $0x0  }
0xa8: {  	s4 =	sshll.u32 s28, $0x1;
	[dreg:$0x2] =	wrdreg s2  }
0xa9: {  	[dreg:$0x3] =	wrdreg s4  }
0xaa: {  	[dreg:$0x4] =	wrdreg $0xC0  }
0xab: {  	_ =	task [dreg:s6], $0x5FFFF  }
0xac: {  	[dreg:$0x1] =	wrdreg $0xFFFFFFFF  }
0xad: {  	[dreg:$0x0] =	wrdreg $0x60  }
0xae: {  	[dreg:$0x2] =	wrdreg s24  }
0xaf: {  	[dreg:$0x3] =	wrdreg $0x9  }
0xb0: {  	_ =	task.clear_ibuf [dreg:s6], $0x4FFFF;
	_ =	strace $0x90000046  }
0xb1: {  	s29 =	simm.s32 $0x9;
	_ =	strace $0x80000048  }
0xb2: {  	_ =	swait.ge [sflag:s29], $0x1  }
0xb3: {  	[sflag:s29] =	ssyncadd.s32 $0xFFFFFFFF  }
0xb4: {  	_ =	strace $0x90000048  }
0xb5: {  	_ =	sfence  }
0xb6: {  	s30 =	sld [smem:$0x0];
	_ =	sdelay $0x2  }
0xb7: {  	s31 =	sshll.u32 s1, $0xD;
	s1 =	sshrl.u32 s1, $0x2  }
0xb8: {  	s3 =	sand.u32 $0x4000, s31;
	s1 =	sadd.s32 s1, s30  }
0xb9: {  	s0 =	sor.u32 s3, s0;
	s1 =	sshll.u32 s1, $0x11  }
0xba: {  	s0 =	sor.u32 s1, s0  }
0xbb: {  	s0 =	sadd.s32 $0x8F2B, s0  }
0xbc: {  	[sflag:s0] =	ssyncadd.remote.s32 $0x1  }
0xbd: {  	_ =	sfence.sel $0xFFFF  }
0xbe: {  	[dreg:$0x0] =	wrdreg $0xFFFFFFFF;
	(pc) =	sbr.abs _section_cstart, $3  }
0xbf: {  	[dreg:$0x1] =	wrdreg $0xFFFFFFFF  }
0xc0: {  	_ =	task.clear_ibuf [dreg:s6], $0x2FFFF;
	_ =	strace $0x9FFFFFFF  }
0xc1: {  	(tm) =	ssettm $0x7FFFFFFF  }
tec
execute0_lowered:
.L_overlay_start_1:
0x0: {  	(tag) =	ssettag $0x1  }
0x1: {  	s5 =	rddreg [dreg:$0x0]  }
0x2: {  	s0 =	rddreg [dreg:$0x1]  }
0x3: {  	s3 =	srdreg.scid;
	s1 =	stileid.u32;
	s2 =	simm.s32 $0x0  }
0x4: {  	s13 =	simm.s32 $0xDC80;
	s14 =	simm.s32 $0xF580;
	s15 =	simm.s32 $0x12780  }
0x5: {  	s16 =	simm.s32 $0x10E80;
	s6 =	sand.u32 $0x1, s3;
	s28 =	sshll.u32 s1, $0x1  }
0x6: {  	s17 =	simm.s32 $0x0;
	[smem:$0x7FF] =	sst s2;
	s8 =	sor.u32 s6, s28  }
0x7: {  	s3 =	sadd.s32 $0x1800, s5;
	s9 =	sadd.s32 $0x3200, s5;
	s7 =	smul.u32 $0x180, s8  }
0x8: {  	s4 =	sadd.s32 $0x15E00, s5;
	s6 =	ssub.s32 $0x2, s6;
	s10 =	smul.u32 $0x1900, s8  }
0x9: {  	_ =	strace $0x80000047;
	s11 =	smul.u32 $0x320, s8;
	s29 =	sshrl.u32 s6, $0x1  }
0xa: {  	s8 =	sshll.u32 s8, $0x3;
	s31 =	ssub.s32 s6, s29;
	s12 =	sadd.s32 s7, s5  }
0xb: {  	s30 =	sshrl.u32 s10, $0x3;
	s5 =	sadd.s32 s9, s11;
	s10 =	smax.u32 s31, $0x1  }
0xc: {  	s11 =	simm.s32 $0x1;
	s7 =	sadd.s32 s9, s30;
	s9 =	sadd.s32 $0x47E00, s12  }
0xd: {  	v0 =	vimm.f32 $0.0e+00;
	v1 =	vimm.f32 $1.000000000e+00;
	s12 =	simm.s32 $0xC380;
	s6 =	sadd.s32 $0x6400, s7;
	s7 =	sadd.s32 $0xC800, s7  }
.LBB2_1:
0xe: {  	[tilespmem:s2], [sflag:$0x1] =	stream.linear.gather [hbm4b:s3+s2], $0xC380, $0x38;
	[tilespmem:$0x13380] =	vst v63  }
0xf: {  	_ =	swait.ge [sflag:s11], $0xC380  }
0x10: {  	[sflag:s11] =	ssyncset.done $0x0  }
0x11: {  	[sflag:s11] =	ssyncadd.s32 $0xFFFF3C80  }
0x12: {  	[tilespmem:s12], [sflag:$0x1] =	stream.linear.gather [hbm4b:s5+s2], $0x1900, $0x38;
	[tilespmem:$0x13380] =	vst v63  }
0x13: {  	_ =	swait.ge [sflag:s11], $0x1900  }
0x14: {  	[sflag:s11] =	ssyncset.done $0x0  }
0x15: {  	[sflag:s11] =	ssyncadd.s32 $0xFFFFE700  }
0x16: {  	[tilespmem:s13], [sflag:$0x1] =	stream.linear.gather [hbm4b:s6+s2], $0x1900, $0x38;
	[tilespmem:$0x13380] =	vst v63  }
0x17: {  	_ =	swait.ge [sflag:s11], $0x1900  }
0x18: {  	[sflag:s11] =	ssyncset.done $0x0  }
0x19: {  	[sflag:s11] =	ssyncadd.s32 $0xFFFFE700  }
0x1a: {  	[tilespmem:s14], [sflag:$0x1] =	stream.linear.gather [hbm4b:s7+s2], $0x1900, $0x38;
	[tilespmem:$0x13380] =	vst v63  }
0x1b: {  	_ =	swait.ge [sflag:s11], $0x1900  }
0x1c: {  	[sflag:s11] =	ssyncset.done $0x0  }
0x1d: {  	s18 =	simm.s32 $0x127A0;
	[sflag:s11] =	ssyncadd.s32 $0xFFFFE700  }
0x1e: {  	[tilespmem:s18+$0xFFFFFFE0] =	vst v0  }
0x1f: {  	s19 =	simm.s32 $0x0;
	[tilespmem:s18+$0x10] =	vst v0  }
0x20: {  	s22 =	simm.s32 $0xF590;
	s23 =	simm.s32 $0xDC90;
	s24 =	simm.s32 $0xC390;
	[tilespmem:s18+$0x0] =	vst v0  }
.LBB2_2:
0x21: {  	s19 =	sadd.s32 $0x4, s19  }
0x22: {  	[tilespmem:s18+$0xFFFFFFF0] =	vst v0;
	s18 =	sadd.s32 $0x40, s18;
	s25 =	simm.s32 $0xFFFFFFFE;
	p0 =	slt.u32 s19, $0xBC  }
.Ltmp0:
0x23: {  	[tilespmem:s18+$0xFFFFFFE0] =	vst v0;
	(pc) =	sbr.rel @p0 .LBB2_2-.Ltmp0, $3  }
0x24: {  	_ =	sdelay $0x1  }
0x25: {  	[tilespmem:s18+$0x10] =	vst v0  }
0x26: {  	[tilespmem:s18+$0x0] =	vst v0  }
0x27: {  	[tilespmem:s18+$0xFFFFFFF0] =	vst v0  }
.LBB2_4:
0x28: {  	v2 =	vld [tilespmem:s24+$0xFFFFFFF0]  }
0x29: {  	v3 =	vld [tilespmem:s23+$0xFFFFFFF0]  }
0x2a: {  	v4 =	vld [tilespmem:s22+$0xFFFFFFF0];
	_ =	sdelay $0x3  }
0x2b: {  	v5 =	vadd.s32 $0x400, v3  }
0x2c: {  	v6 =	vadd.s32 $0x800, v4;
	_ =	sdelay $0x2  }
0x2d: {  	[tilespmem:v2+s15+$0x0] =	vst.idx.msk $0xffff, v1  }
0x2e: {  	v2 =	vmul.u32 $0x32, v2;
	[tilespmem:v5+s15+$0x0] =	vst.idx.msk $0xffff, v1  }
0x2f: {  	v3 =	vmul.u32 $0x32, v3;
	[tilespmem:v6+s15+$0x0] =	vst.idx.msk $0xffff, v1  }
0x30: {  	[tilespmem:s24+$0xFFFFFFF0] =	vst v2;
	v2 =	vmul.u32 $0x32, v4  }
0x31: {  	[tilespmem:s23+$0xFFFFFFF0] =	vst v3  }
0x32: {  	[tilespmem:s22+$0xFFFFFFF0] =	vst v2;
	v61 =	vld [tilespmem:s22+$0x0]  }
0x33: {  	v3 =	vld [tilespmem:s23+$0x0]  }
0x34: {  	v2 =	vld [tilespmem:s24+$0x0];
	_ =	sdelay $0x3  }
0x35: {  	v62 =	vadd.s32 $0x400, v3  }
0x36: {  	v63 =	vadd.s32 $0x800, v61;
	_ =	sdelay $0x1  }
0x37: {  	s25 =	sadd.s32 $0x2, s25  }
0x38: {  	p0 =	slt.u32 s25, $0x18E;
	[tilespmem:v2+s15+$0x0] =	vst.idx.msk $0xffff, v1  }
.Ltmp1:
0x39: {  	v2 =	vmul.u32 $0x32, v2;
	[tilespmem:v62+s15+$0x0] =	vst.idx.msk $0xffff, v1;
	(pc) =	sbr.rel @p0 .LBB2_4-.Ltmp1, $4  }
0x3a: {  	v3 =	vmul.u32 $0x32, v3;
	[tilespmem:v63+s15+$0x0] =	vst.idx.msk $0xffff, v1  }
0x3b: {  	s18 =	simm.s32 $0x0;
	[tilespmem:s24+$0x0] =	vst v2;
	v2 =	vmul.u32 $0x32, v61  }
0x3c: {  	s19 =	simm.s32 $0xF680;
	s20 =	simm.s32 $0xDD80;
	s21 =	simm.s32 $0xC480;
	[tilespmem:s23+$0x0] =	vst v3  }
0x3d: {  	s24 =	sadd.s32 $0x20, s24;
	s23 =	sadd.s32 $0x20, s23;
	[tilespmem:s22+$0x0] =	vst v2;
	s22 =	sadd.s32 $0x20, s22  }
.LBB2_5:
0x3e: {  	s22 =	sshll.u32 s18, $0x4;
	s23 =	simm.s32 $0x0  }
.LBB2_6:
0x3f: {  	v4 =	vld [tilespmem:s20+$0xFFFFFF00]  }
0x40: {  	v6 =	vld [tilespmem:s19+$0x80]  }
0x41: {  	v5 =	vld [tilespmem:s19+$0xFFFFFF80]  }
0x42: {  	v7 =	vld [tilespmem:s20+$0x80]  }
0x43: {  	v9 =	vld [tilespmem:s20+$0xFFFFFF80]  }
0x44: {  	v8 =	vld [tilespmem:s21+$0x0];
	s24 =	sshll.u32 s23, $0x1  }
0x45: {  	v10 =	vld [tilespmem:s19+$0x0];
	v3 =	vmov s24;
	s24 =	sshllo.u32 s23, $0x1  }
0x46: {  	v12 =	vld [tilespmem:s21+$0x80];
	v2 =	vmov s24;
	v11 =	vadd.s32 v3, v4  }
0x47: {  	v15 =	vld [tilespmem:s21+$0xFFFFFF00];
	v4 =	vadd.s32 v2, v4  }
0x48: {  	v13 =	vld [tilespmem:s20+$0x0];
	v16 =	vadd.s32 v3, v9  }
0x49: {  	v18 =	vld [tilespmem:s19+$0xFFFFFF00];
	v9 =	vadd.s32 v2, v9  }
0x4a: {  	v19 =	vld [tilespmem:s21+$0xFFFFFF80];
	v14 =	vadd.s32 v2, v7;
	v7 =	vadd.s32 v3, v7  }
0x4b: {  	v24 =	vadd.s32 v2, v5;
	v11 =	vld.idx.msk [tilespmem:v11+s2+$0x0], $0xffff  }
0x4c: {  	v27 =	vadd.s32 v3, v15;
	v22 =	vld.idx.msk [tilespmem:v4+s2+$0x0], $0xffff  }
0x4d: {  	v25 =	vadd.s32 v3, v5;
	v23 =	vld.idx.msk [tilespmem:v16+s2+$0x0], $0xffff  }
0x4e: {  	v21 =	vadd.s32 v2, v10;
	v35 =	vadd.s32 v3, v10;
	v10 =	vadd.s32 v2, v15;
	v29 =	vld.idx.msk [tilespmem:v9+s2+$0x0], $0xffff  }
0x4f: {  	v26 =	vadd.s32 v3, v8;
	v17 =	vld.idx.msk [tilespmem:v7+s2+$0x0], $0xffff  }
0x50: {  	v34 =	vadd.s32 v2, v18;
	v24 =	vld.idx.msk [tilespmem:v24+s2+$0x0], $0xffff  }
0x51: {  	v4 =	vadd.s32 v3, v12;
	v42 =	vld.idx.msk [tilespmem:v27+s2+$0x0], $0xffff  }
0x52: {  	v31 =	vadd.s32 v3, v18;
	v18 =	vld.idx.msk [tilespmem:v25+s2+$0x0], $0xffff  }
0x53: {  	v44 =	vld.idx.msk [tilespmem:v10+s2+$0x0], $0xffff  }
0x54: {  	v20 =	vadd.s32 v2, v13;
	v27 =	vld.idx.msk [tilespmem:v26+s2+$0x0], $0xffff  }
0x55: {  	v13 =	vadd.s32 v3, v13;
	v32 =	vadd.s32 v2, v6;
	v9 =	vadd.s32 v2, v8;
	v52 =	vld.idx.msk [tilespmem:v34+s2+$0x0], $0xffff  }
0x56: {  	v41 =	vadd.s32 v2, v12;
	v16 =	vimm.f32 $0.0e+00;
	v5 =	vld.idx.msk [tilespmem:v4+s2+$0x0], $0xffff;
	v4 =	vadd.s32 v3, v6  }
0x57: {  	v40 =	vld.idx.msk [tilespmem:v31+s2+$0x0], $0xffff;
	v7 =	vmul.f32 v22, v22;
	v6 =	vmul.f32 v11, v11;
	v15 =	vadd.f32 v22, v16  }
0x58: {  	v8 =	vld.idx.msk [tilespmem:v21+s2+$0x0], $0xffff;
	v21 =	vmul.f32 v29, v29;
	v33 =	vmul.f32 v23, v23;
	v37 =	vadd.f32 v11, v16  }
0x59: {  	v30 =	vld.idx.msk [tilespmem:v20+s2+$0x0], $0xffff;
	v10 =	vmul.f32 v42, v42;
	v49 =	vmul.f32 v11, v42;
	v26 =	vadd.f32 v42, v16  }
0x5a: {  	v31 =	vmul.f32 v22, v44;
	v20 =	vadd.f32 v7, v16;
	v7 =	vld.idx.msk [tilespmem:v9+s2+$0x0], $0xffff;
	v9 =	vadd.s32 v3, v19  }
0x5b: {  	v34 =	vmul.f32 v24, v24;
	v43 =	vmul.f32 v18, v18;
	v47 =	vadd.f32 v52, v16  }
0x5c: {  	v14 =	vld.idx.msk [tilespmem:v14+s2+$0x0], $0xffff;
	v48 =	vmul.f32 v27, v27;
	v54 =	vmul.f32 v40, v42;
	v12 =	vadd.f32 v29, v15  }
0x5d: {  	v28 =	vld.idx.msk [tilespmem:v13+s2+$0x0], $0xffff;
	v53 =	vmul.f32 v52, v44;
	v36 =	vadd.f32 v6, v16;
	v50 =	vadd.f32 v10, v16  }
0x5e: {  	v19 =	vadd.s32 v2, v19;
	v10 =	vld.idx.msk [tilespmem:v32+s2+$0x0], $0xffff;
	v42 =	vadd.f32 v31, v16;
	v31 =	vadd.f32 v54, v16  }
0x5f: {  	v32 =	vmul.f32 v52, v52;
	v13 =	vadd.f32 v21, v20;
	v21 =	vmul.f32 v30, v30;
	v45 =	vld.idx.msk [tilespmem:v9+s2+$0x0], $0xffff  }
0x60: {  	v20 =	vmul.f32 v17, v17;
	v12 =	vadd.f32 v30, v12;
	v36 =	vadd.f32 v33, v36  }
0x61: {  	v15 =	vld.idx.msk [tilespmem:v4+s2+$0x0], $0xffff;
	v4 =	vmul.f32 v14, v14;
	v6 =	vmul.f32 v17, v5;
	v25 =	vadd.f32 v21, v13  }
0x62: {  	v33 =	vadd.f32 v44, v16;
	v13 =	vmul.f32 v8, v8;
	v21 =	vmul.f32 v8, v7  }
0x63: {  	v38 =	vmul.f32 v7, v7;
	v4 =	vadd.f32 v4, v25;
	v25 =	vadd.f32 v23, v37;
	v37 =	vld.idx.msk [tilespmem:v19+s2+$0x0], $0xffff  }
0x64: {  	v39 =	vadd.f32 v45, v26;
	v26 =	vmul.f32 v23, v45;
	v23 =	vmul.f32 v45, v45  }
0x65: {  	v9 =	vadd.f32 v14, v12;
	v11 =	vmul.f32 v30, v7;
	v30 =	vadd.f32 v49, v16  }
0x66: {  	v49 =	vmul.f32 v40, v40;
	v19 =	vmul.f32 v44, v44;
	v51 =	vadd.f32 v23, v50;
	v23 =	vld.idx.msk [tilespmem:v41+s2+$0x0], $0xffff  }
0x67: {  	v12 =	vmul.f32 v15, v5;
	v46 =	vadd.f32 v28, v25;
	v25 =	vmul.f32 v28, v27  }
0x68: {  	v62 =	vadd.f32 v19, v16;
	v19 =	vmul.f32 v10, v10;
	v63 =	vmul.f32 v37, v37  }
0x69: {  	s25 =	simm.s32 $0x0;
	v22 =	vmul.f32 v18, v45;
	v45 =	vadd.f32 v53, v16;
	v44 =	vmul.f32 v29, v37;
	v41 =	vld.idx.msk [tilespmem:v35+s2+$0x0], $0xffff  }
0x6a: {  	s26 =	sadd.s32 $0x200, s19;
	s28 =	sadd.s32 $0x200, s20;
	s29 =	sadd.s32 $0x200, s21;
	v29 =	vimm.f32 $0.0e+00;
	v35 =	vimm.f32 $0.0e+00;
	v50 =	vadd.f32 v63, v62  }
.LBB2_7:
0x6b: {  	v52 =	vld [tilespmem:s28+$0xFFFFFF00];
	s25 =	sadd.s32 $0x4, s25;
	v47 =	vadd.f32 v24, v47;
	v48 =	vadd.f32 v48, v51;
	v51 =	vmul.f32 v23, v23  }
0x6c: {  	v16 =	vadd.f32 v49, v16;
	v28 =	vmul.f32 v28, v28;
	v49 =	vmul.f32 v5, v5;
	v53 =	vld [tilespmem:s26+$0x80];
	p0 =	slt.u32 s25, $0x2C  }
0x6d: {  	v24 =	vmul.f32 v24, v37;
	v38 =	vadd.f32 v38, v50;
	v46 =	vadd.f32 v17, v46;
	v54 =	vld [tilespmem:s26+$0xFFFFFF80]  }
0x6e: {  	v50 =	vadd.f32 v37, v33;
	v55 =	vmul.f32 v41, v41;
	v33 =	vadd.f32 v49, v48;
	v17 =	vld [tilespmem:s28+$0x80]  }
0x6f: {  	v29 =	vadd.f32 v40, v29;
	v37 =	vmul.f32 v14, v23;
	v16 =	vadd.f32 v43, v16;
	v48 =	vld [tilespmem:s29+$0x0]  }
0x70: {  	v35 =	vadd.f32 v32, v35;
	v28 =	vadd.f32 v28, v36;
	v14 =	vadd.s32 v3, v52;
	v40 =	vld [tilespmem:s28+$0xFFFFFF80]  }
0x71: {  	v49 =	vmul.f32 v15, v15;
	v32 =	vadd.f32 v51, v38;
	v36 =	vadd.s32 v2, v52;
	v43 =	vld [tilespmem:s26+$0x0]  }
0x72: {  	v39 =	vadd.f32 v27, v39;
	v27 =	vmul.f32 v41, v27;
	v51 =	vadd.f32 v20, v28;
	v38 =	vld [tilespmem:s29+$0x80]  }
0x73: {  	v42 =	vadd.f32 v44, v42;
	v34 =	vadd.f32 v34, v35;
	v20 =	vld [tilespmem:s28+$0x0];
	v28 =	vadd.s32 v3, v17  }
0x74: {  	v44 =	vmul.f32 v10, v23;
	v24 =	vadd.f32 v24, v45;
	v17 =	vadd.s32 v2, v17;
	v35 =	vld [tilespmem:s29+$0xFFFFFF00]  }
0x75: {  	v18 =	vadd.f32 v18, v29;
	v16 =	vadd.f32 v55, v16;
	v45 =	vld [tilespmem:s26+$0xFFFFFF00];
	v52 =	vadd.s32 v3, v40  }
0x76: {  	v21 =	vadd.f32 v21, v24;
	v56 =	vadd.s32 v2, v48;
	v40 =	vadd.s32 v2, v40;
	v55 =	vld [tilespmem:s29+$0xFFFFFF80]  }
0x77: {  	v18 =	vadd.f32 v41, v18;
	v58 =	vadd.s32 v3, v54;
	v24 =	vadd.s32 v2, v54;
	v57 =	vld.idx.msk [tilespmem:v14+s2+$0x0], $0xffff  }
0x78: {  	v16 =	vadd.f32 v49, v16;
	v54 =	vadd.s32 v3, v53;
	v41 =	vld.idx.msk [tilespmem:v36+s2+$0x0], $0xffff;
	v36 =	vadd.s32 v3, v38  }
0x79: {  	v29 =	vadd.f32 v15, v18;
	v48 =	vadd.s32 v3, v48;
	v49 =	vadd.s32 v2, v20;
	v14 =	vld.idx.msk [tilespmem:v17+s2+$0x0], $0xffff  }
0x7a: {  	v39 =	vadd.f32 v5, v39;
	v59 =	vadd.s32 v3, v43;
	v15 =	vadd.s32 v2, v43;
	v52 =	vld.idx.msk [tilespmem:v52+s2+$0x0], $0xffff  }
0x7b: {  	v18 =	vadd.s32 v3, v20;
	v20 =	vadd.f32 v7, v50;
	v43 =	vadd.s32 v2, v35;
	v60 =	vld.idx.msk [tilespmem:v40+s2+$0x0], $0xffff  }
0x7c: {  	v50 =	vadd.s32 v2, v53;
	v7 =	vadd.f32 v26, v30;
	v40 =	vadd.s32 v3, v45;
	v17 =	vld.idx.msk [tilespmem:v28+s2+$0x0], $0xffff  }
0x7d: {  	v22 =	vadd.f32 v22, v31;
	v30 =	vadd.s32 v3, v55;
	v26 =	vmul.f32 v57, v57;
	v5 =	vld.idx.msk [tilespmem:v36+s2+$0x0], $0xffff  }
0x7e: {  	v31 =	vadd.s32 v3, v35;
	v25 =	vadd.f32 v25, v7;
	v28 =	vmul.f32 v41, v41;
	v36 =	vld.idx.msk [tilespmem:v49+s2+$0x0], $0xffff  }
0x7f: {  	v61 =	vadd.f32 v44, v21;
	v53 =	vadd.s32 v2, v38;
	v7 =	vadd.f32 v41, v9;
	v49 =	vld.idx.msk [tilespmem:v15+s2+$0x0], $0xffff  }
0x80: {  	v9 =	vadd.f32 v13, v34;
	v4 =	vadd.f32 v28, v4;
	v44 =	vmul.f32 v52, v52;
	v24 =	vld.idx.msk [tilespmem:v24+s2+$0x0], $0xffff  }
0x81: {  	v23 =	vadd.f32 v23, v20;
	v13 =	vadd.f32 v60, v7;
	v15 =	vmul.f32 v60, v60;
	v7 =	vld.idx.msk [tilespmem:v56+s2+$0x0], $0xffff  }
0x82: {  	v8 =	vadd.f32 v8, v47;
	v34 =	vadd.s32 v2, v45;
	v20 =	vmul.f32 v17, v17;
	v28 =	vld.idx.msk [tilespmem:v18+s2+$0x0], $0xffff  }
0x83: {  	v21 =	vadd.f32 v27, v22;
	v45 =	vadd.s32 v2, v55;
	v4 =	vadd.f32 v15, v4;
	v18 =	vld.idx.msk [tilespmem:v58+s2+$0x0], $0xffff  }
0x84: {  	v35 =	vadd.f32 v19, v9;
	v22 =	vadd.f32 v36, v13;
	v13 =	vmul.f32 v36, v36;
	v31 =	vld.idx.msk [tilespmem:v31+s2+$0x0], $0xffff  }
0x85: {  	v19 =	vadd.f32 v26, v51;
	v9 =	vmul.f32 v14, v14;
	v51 =	vadd.f32 v6, v25;
	v15 =	vld.idx.msk [tilespmem:v54+s2+$0x0], $0xffff  }
0x86: {  	v6 =	vmul.f32 v17, v5;
	v4 =	vadd.f32 v13, v4;
	v54 =	vadd.f32 v12, v21;
	v27 =	vld.idx.msk [tilespmem:v48+s2+$0x0], $0xffff  }
0x87: {  	v11 =	vadd.f32 v11, v42;
	v12 =	vadd.f32 v57, v46;
	v13 =	vmul.f32 v49, v49;
	v55 =	vld.idx.msk [tilespmem:v43+s2+$0x0], $0xffff  }
0x88: {  	v21 =	vmul.f32 v49, v7;
	v4 =	vadd.f32 v9, v4;
	v25 =	vld.idx.msk [tilespmem:v30+s2+$0x0], $0xffff;
	v30 =	vadd.f32 v10, v8  }
0x89: {  	v58 =	vadd.f32 v37, v11;
	v38 =	vmul.f32 v7, v7;
	v42 =	vadd.f32 v52, v12;
	v56 =	vld.idx.msk [tilespmem:v34+s2+$0x0], $0xffff  }
0x8a: {  	v9 =	vadd.f32 v14, v22;
	v26 =	vmul.f32 v31, v31;
	v57 =	vmul.f32 v57, v31;
	v37 =	vld.idx.msk [tilespmem:v45+s2+$0x0], $0xffff  }
0x8b: {  	v11 =	vmul.f32 v36, v7;
	v22 =	vadd.f32 v31, v39;
	v12 =	vmul.f32 v15, v5;
	v40 =	vld.idx.msk [tilespmem:v40+s2+$0x0], $0xffff  }
0x8c: {  	v36 =	vadd.f32 v44, v19;
	v8 =	vmov v49;
	v45 =	vadd.f32 v26, v33;
	v10 =	vld.idx.msk [tilespmem:v50+s2+$0x0], $0xffff  }
0x8d: {  	v34 =	vmul.f32 v24, v24;
	v33 =	vadd.f32 v55, v23;
	v41 =	vmul.f32 v41, v55  }
0x8e: {  	v19 =	vmul.f32 v55, v55;
	v39 =	vadd.f32 v25, v22;
	v22 =	vmul.f32 v18, v25  }
0x8f: {  	v43 =	vmul.f32 v18, v18;
	v46 =	vadd.f32 v28, v42;
	v26 =	vmul.f32 v52, v25  }
0x90: {  	v44 =	vmul.f32 v25, v25;
	v25 =	vmul.f32 v28, v27;
	v47 =	vadd.f32 v56, v30;
	v23 =	vld.idx.msk [tilespmem:v53+s2+$0x0], $0xffff  }
.Ltmp2:
0x91: {  	v48 =	vmul.f32 v27, v27;
	v32 =	vadd.f32 v19, v32;
	v50 =	vmul.f32 v37, v37;
	(pc) =	sbr.rel @p0 .LBB2_7-.Ltmp2, $4  }
0x92: {  	v30 =	vadd.f32 v57, v51;
	v52 =	vmul.f32 v56, v55;
	v19 =	vmul.f32 v10, v10  }
0x93: {  	v42 =	vadd.f32 v41, v58;
	v49 =	vmul.f32 v40, v40;
	v31 =	vmul.f32 v40, v31;
	v41 =	vld.idx.msk [tilespmem:v59+s2+$0x0], $0xffff  }
0x94: {  	v51 =	vadd.f32 v44, v45;
	v44 =	vmul.f32 v60, v37;
	v50 =	vadd.f32 v50, v32  }
0x95: {  	s28 =	sadd.s32 $0x200, s28;
	s26 =	sadd.s32 $0x200, s26;
	s29 =	sadd.s32 $0x200, s29;
	v45 =	vadd.f32 v52, v61;
	v32 =	vmul.f32 v56, v56;
	v31 =	vadd.f32 v31, v54  }
0x96: {  	v47 =	vadd.f32 v24, v47;
	v48 =	vadd.f32 v48, v51;
	v55 =	vmul.f32 v23, v23  }
0x97: {  	v16 =	vadd.f32 v49, v16;
	v56 =	vmul.f32 v5, v5;
	v38 =	vadd.f32 v38, v50  }
0x98: {  	v28 =	vmul.f32 v28, v28;
	v17 =	vadd.f32 v17, v46;
	v33 =	vadd.f32 v37, v33;
	v58 =	vld [tilespmem:s22+$0xDB80]  }
0x99: {  	v57 =	vmul.f32 v24, v37;
	v29 =	vadd.f32 v40, v29;
	v60 =	vld [tilespmem:s22+$0xF480];
	v39 =	vadd.f32 v27, v39  }
0x9a: {  	v14 =	vmul.f32 v14, v23;
	v26 =	vadd.f32 v26, v30;
	v32 =	vadd.f32 v32, v35  }
0x9b: {  	v61 =	vmul.f32 v15, v15;
	v22 =	vadd.f32 v22, v31;
	v37 =	vadd.f32 v56, v48  }
0x9c: {  	v50 =	vld [tilespmem:s22+$0xF500];
	v59 =	vmul.f32 v41, v41;
	v16 =	vadd.f32 v43, v16;
	v28 =	vadd.f32 v28, v36  }
0x9d: {  	v35 =	vadd.f32 v55, v38;
	v38 =	vld [tilespmem:s22+$0x10D80];
	v27 =	vmul.f32 v41, v27;
	v63 =	vadd.s32 v3, v58  }
0x9e: {  	v18 =	vadd.f32 v18, v29;
	v29 =	vadd.f32 v44, v42;
	v48 =	vld [tilespmem:s22+$0xDC00];
	v49 =	vadd.s32 v3, v60  }
0x9f: {  	v24 =	vadd.f32 v57, v45;
	v16 =	vadd.f32 v59, v16;
	v55 =	vadd.s32 v2, v58  }
0xa0: {  	v53 =	vld [tilespmem:s22+$0x10E00];
	v56 =	vadd.f32 v5, v39;
	v7 =	vadd.f32 v7, v33;
	v57 =	vadd.s32 v2, v60  }
0xa1: {  	v25 =	vadd.f32 v25, v26;
	v16 =	vadd.f32 v61, v16;
	v61 =	vadd.s32 v3, v50  }
0xa2: {  	v8 =	vadd.f32 v8, v47;
	v18 =	vadd.f32 v41, v18;
	v52 =	vadd.s32 v3, v38;
	v58 =	vld.idx.msk [tilespmem:v63+s2+$0x0], $0xffff  }
0xa3: {  	v62 =	vadd.f32 v34, v32;
	v20 =	vadd.f32 v20, v28;
	v59 =	vadd.s32 v3, v48;
	v60 =	vld.idx.msk [tilespmem:v49+s2+$0x0], $0xffff  }
0xa4: {  	v51 =	vmul.f32 v10, v23;
	v21 =	vadd.f32 v21, v24;
	v54 =	vadd.f32 v15, v18;
	v18 =	vld.idx.msk [tilespmem:v55+s2+$0x0], $0xffff  }
0xa5: {  	v7 =	vadd.f32 v23, v7;
	v22 =	vadd.f32 v27, v22;
	v3 =	vadd.s32 v3, v53;
	v36 =	vld.idx.msk [tilespmem:v57+s2+$0x0], $0xffff  }
0xa6: {  	v11 =	vadd.f32 v11, v29;
	v6 =	vadd.f32 v6, v25;
	v40 =	vadd.s32 v2, v50;
	v42 =	vld.idx.msk [tilespmem:v61+s2+$0x0], $0xffff  }
0xa7: {  	v8 =	vadd.f32 v10, v8;
	v13 =	vadd.f32 v13, v62;
	v63 =	vadd.s32 v2, v38;
	v62 =	vld.idx.msk [tilespmem:v52+s2+$0x0], $0xffff  }
0xa8: {  	v21 =	vadd.f32 v51, v21;
	v12 =	vadd.f32 v12, v22;
	v38 =	vadd.s32 v2, v48;
	v39 =	vld.idx.msk [tilespmem:v59+s2+$0x0], $0xffff  }
0xa9: {  	v41 =	vadd.f32 v14, v11;
	v13 =	vadd.f32 v19, v13;
	v2 =	vadd.s32 v2, v53  }
0xaa: {  	v3 =	vld.idx.msk [tilespmem:v3+s2+$0x0], $0xffff;
	v5 =	vadd.f32 v58, v56;
	v43 =	vmul.f32 v58, v58;
	v44 =	vmul.f32 v60, v60  }
0xab: {  	v25 =	vld.idx.msk [tilespmem:v40+s2+$0x0], $0xffff;
	v17 =	vadd.f32 v60, v17;
	v26 =	vmul.f32 v60, v58;
	v48 =	vadd.f32 v18, v7  }
0xac: {  	v24 =	vld.idx.msk [tilespmem:v63+s2+$0x0], $0xffff;
	v9 =	vadd.f32 v36, v9;
	v52 =	vmul.f32 v18, v18;
	v47 =	vmul.f32 v42, v42  }
0xad: {  	v27 =	vld.idx.msk [tilespmem:v38+s2+$0x0], $0xffff;
	v15 =	vadd.f32 v62, v54;
	v45 =	vmul.f32 v62, v62;
	v5 =	vadd.f32 v39, v5  }
0xae: {  	s25 =	sshll.u32 s23, $0x5;
	v2 =	vld.idx.msk [tilespmem:v2+s2+$0x0], $0xffff;
	v14 =	vadd.f32 v43, v37;
	v17 =	vadd.f32 v42, v17;
	v46 =	vmul.f32 v39, v39  }
0xaf: {  	v20 =	vadd.f32 v44, v20;
	v23 =	vmul.f32 v62, v58;
	v15 =	vadd.f32 v3, v15;
	[tilespmem:s25+$0x10E80] =	vst v5  }
0xb0: {  	v50 =	vmul.f32 v3, v3;
	v16 =	vadd.f32 v45, v16;
	v49 =	vadd.f32 v46, v14;
	[tilespmem:s25+$0x111A0] =	vst v17  }
0xb1: {  	v6 =	vadd.f32 v26, v6;
	v11 =	vmul.f32 v42, v39;
	v51 =	vadd.f32 v47, v20;
	[tilespmem:s25+$0x114C0] =	vst v15  }
0xb2: {  	s26 =	sand.u32 $0x3E0, s25;
	v12 =	vadd.f32 v23, v12;
	v3 =	vmul.f32 v3, v39;
	v14 =	vadd.f32 v50, v16;
	[tilespmem:s25+$0x117E0] =	vst v49  }
0xb3: {  	v55 =	vadd.f32 v52, v35;
	v6 =	vadd.f32 v11, v6;
	[tilespmem:s26+$0x11B00] =	vst v51  }
0xb4: {  	v54 =	vmul.f32 v36, v36;
	v58 =	vadd.f32 v25, v9;
	v3 =	vadd.f32 v3, v12;
	[tilespmem:s25+$0x11E20] =	vst v14  }
0xb5: {  	v60 =	vmul.f32 v25, v25;
	v53 =	vadd.f32 v24, v8;
	v5 =	vadd.f32 v27, v48;
	[tilespmem:s25+$0x12140] =	vst v6  }
0xb6: {  	s24 =	sshll.u32 s24, $0x4;
	v4 =	vadd.f32 v54, v4;
	v56 =	vmul.f32 v24, v24;
	v59 =	vmul.f32 v27, v27;
	[tilespmem:s25+$0x12460] =	vst v3  }
0xb7: {  	v61 =	vmul.f32 v24, v18;
	v62 =	vmul.f32 v2, v2;
	v7 =	vadd.f32 v2, v53;
	[tilespmem:s24+$0x10E80] =	vst v5  }
0xb8: {  	s23 =	sadd.s32 $0x1, s23;
	v57 =	vadd.f32 v56, v13;
	v9 =	vadd.f32 v59, v55;
	v3 =	vmul.f32 v36, v18;
	[tilespmem:s24+$0x111A0] =	vst v58  }
0xb9: {  	p0 =	sne.s32 s23, $0x19;
	v4 =	vadd.f32 v60, v4;
	v2 =	vmul.f32 v2, v27;
	[tilespmem:s24+$0x114C0] =	vst v7;
	v5 =	vadd.f32 v61, v21  }
.Ltmp3:
0xba: {  	s31 =	sand.u32 $0x3F0, s24;
	v63 =	vmul.f32 v25, v27;
	v6 =	vadd.f32 v62, v57;
	[tilespmem:s24+$0x117E0] =	vst v9;
	v3 =	vadd.f32 v3, v41;
	(pc) =	sbr.rel @p0 .LBB2_6-.Ltmp3, $4  }
0xbb: {  	[tilespmem:s31+$0x11B00] =	vst v4;
	v2 =	vadd.f32 v2, v5  }
0xbc: {  	[tilespmem:s24+$0x11E20] =	vst v6;
	v3 =	vadd.f32 v63, v3  }
0xbd: {  	[tilespmem:s24+$0x12460] =	vst v2  }
0xbe: {  	[tilespmem:s24+$0x12140] =	vst v3  }
0xbf: {  	s22 =	sadd.s32 s8, s18  }
0xc0: {  	s18 =	sadd.s32 $0x1, s18;
	s22 =	smul.u32 $0x320, s22  }
0xc1: {  	p0 =	sne.s32 s18, $0x8  }
.Ltmp4:
0xc2: {  	s22 =	sadd.s32 s4, s22;
	(pc) =	sbr.rel @p0 .LBB2_5-.Ltmp4, $4  }
0xc3: {  	[hbm4b:s22+s2] =	stream.linear.scatter [tilespmem:s16], [sflag:$0x1], $0x1900, $0x38;
	[tilespmem:$0x13380] =	vst v63  }
0xc4: {  	_ =	swait.ge [sflag:s11], $0x1900  }
0xc5: {  	s19 =	sadd.s32 $0x10, s19;
	[sflag:s11] =	ssyncset.done $0x0  }
0xc6: {  	s20 =	sadd.s32 $0x10, s20;
	s21 =	sadd.s32 $0x10, s21;
	[sflag:s11] =	ssyncadd.s32 $0xFFFFE700  }
0xc7: {  	s17 =	sadd.s32 $0x1, s17  }
0xc8: {  	p0 =	sne.s32 s17, s10  }
.Ltmp5:
0xc9: {  	_ = 	snop;
	(pc) =	sbr.rel @p0 .LBB2_1-.Ltmp5, $4  }
0xca: {  	[hbm4b:s9+s2] =	stream.linear.scatter [tilespmem:s15], [sflag:$0x1], $0xC00, $0x38;
	[tilespmem:$0x13380] =	vst v63  }
0xcb: {  	_ =	swait.ge [sflag:s11], $0xC00  }
0xcc: {  	[sflag:s11] =	ssyncset.done $0x0  }
0xcd: {  	[sflag:s11] =	ssyncadd.s32 $0xFFFFF400  }
0xce: {  	_ =	sfence.sel $0x180000  }
0xcf: {  	[bflag:$0x0] =	sbarrier.arrive $0xFFFF  }
0xd0: {  	p0 =	sne.s32 s1, $0x0;
	_ =	strace $0x90000047  }
0xd1: {  	s0 =	sadd.s32 @!p0 $0x100000, s0;
	[bflag:$0x2] =	sbarrier.arrive $0xFFFF  }
0xd2: {  	[sflag:s0] =	ssyncadd.tile.s32 @!p0 $0x1;
	_ =	shalt  }
.Lfunc_end2:
_tile_overlayer_lowered:
.L_overlay_start_2:
0xd3: {  	(tag) =	ssettag $0x2  }
0xd4: {  	s0 =	rddreg [dreg:$0x0];
	s2 =	stileid.u32  }
0xd5: {  	s1 =	rddreg [dreg:$0x1];
	p0 =	sne.s32 s2, $0x0  }
0xd6: {  	s3 =	rddreg [dreg:$0x2];
	[bflag:$0x3] =	sbarrier.arrive $0xFFFF;
	s2 =	simm.s32 @!p0 $0x1C01  }
0xd7: {  	[timem:s3], [sflag:s2] =	dma.local @!p0 [hbm:s0], s1  }
0xd8: {  	s0 =	simm.s32 @!p0 $0x1  }
0xd9: {  	_ =	swait.ge @!p0 [sflag:s0], s1  }
0xda: {  	s1 =	ssub.s32 @!p0 $0x0, s1;
	[sflag:s0] =	ssyncset.done @!p0 $0x0  }
0xdb: {  	[sflag:s0] =	ssyncadd.s32 @!p0 s1  }
0xdc: {  	[bflag:$0x3] =	sbarrier.arrive $0xFFFF  }
0xdd: {  	_ =	shalt  }

</sc_bundles>
